<compile_context>
chip_gen: v7x
topology: tpu7x:2x2x1
jax: 0.10.2.dev20260603
libtpu: 0.0.44.dev20260713+nightly
codegen_flags: <defaults>
</compile_context>

<pallas_src>
import functools

import jax
import jax.numpy as jnp
from jax import lax
from jax.experimental import pallas as pl
from jax.experimental.pallas import tpu as pltpu
from jax.experimental.pallas import tpu_sc as plsc

N_FEATURES = 100000
N_HIDDEN = 16
BATCH = 1024

_NC, _NS = 2, 16
_NW = _NC * _NS
_BPW = BATCH // _NW


_WPW = _BPW * N_HIDDEN


def _sc_gather(buf, idx):
    mesh = plsc.VectorSubcoreMesh(core_axis_name="c", subcore_axis_name="s")

    ngrp = _WPW // 128
    kpg = N_HIDDEN // ngrp

    @functools.partial(
        pl.kernel,
        mesh=mesh,
        out_type=jax.ShapeDtypeStruct((N_HIDDEN + 1, BATCH), jnp.float32),
        scratch_types=[
            pltpu.VMEM((_BPW,), jnp.int32),
            pltpu.VMEM((ngrp, 128), jnp.int32),
            pltpu.VMEM((ngrp, 128), jnp.float32),
            pltpu.VMEM((_BPW,), jnp.float32),
            pltpu.SemaphoreType.DMA,
        ],
        compiler_params=pltpu.CompilerParams(
            use_tc_tiling_on_sc=False, needs_layout_passes=False),
    )
    def gather_kernel(buf_hbm, idx_hbm, out_hbm, idx_v, widx_v, rows_v,
                      ones_v, sem):
        wid = lax.axis_index("s") * _NC + lax.axis_index("c")
        base = wid * _BPW
        pltpu.sync_copy(idx_hbm.at[pl.ds(base, _BPW)], idx_v)
        for h in range(_BPW // 16):
            ih = idx_v[pl.ds(h * 16, 16)]
            ones_v[pl.ds(h * 16, 16)] = jnp.full((16,), 1.0, jnp.float32)
            for g in range(ngrp):
                for kk in range(kpg):
                    widx_v[g, pl.ds(kk * _BPW + h * 16, 16)] = (
                        ih + (g * kpg + kk) * N_FEATURES)
        copies = [
            pltpu.async_copy(buf_hbm.at[widx_v.at[g]], rows_v.at[g], sem)
            for g in range(ngrp)
        ]
        for c in copies:
            c.wait()
        for g in range(ngrp):
            for kk in range(kpg):
                pltpu.sync_copy(
                    rows_v.at[g, pl.ds(kk * _BPW, _BPW)],
                    out_hbm.at[g * kpg + kk, pl.ds(base, _BPW)])
        pltpu.sync_copy(ones_v, out_hbm.at[N_HIDDEN, pl.ds(base, _BPW)])

    return gather_kernel(buf, idx)


_VTILE = 3072


def _mm_body(wt_ref, xt_ref, o_ref):
    o_ref[...] = lax.dot_general(
        wt_ref[...], xt_ref[...],
        dimension_numbers=(((0,), (0,)), ((), ())),
        preferred_element_type=jnp.float32,
    )


def _tc_project_t(xt, Wt):
    grid = (pl.cdiv(N_FEATURES, _VTILE),)
    return pl.pallas_call(
        _mm_body,
        grid=grid,
        in_specs=[
            pl.BlockSpec((N_HIDDEN + 1, _VTILE), lambda i: (0, i)),
            pl.BlockSpec((N_HIDDEN + 1, BATCH), lambda i: (0, 0)),
        ],
        out_specs=pl.BlockSpec((_VTILE, BATCH), lambda i: (i, 0)),
        out_shape=jax.ShapeDtypeStruct((N_FEATURES, BATCH), jnp.float32),
    )(Wt, xt)


def kernel(data, emb, W, b):
    buf = emb.T.reshape(N_FEATURES * N_HIDDEN)
    xt = _sc_gather(buf, data.astype(jnp.int32))
    wt = jnp.concatenate([W.T, b[None, :]], axis=0)
    outT = _tc_project_t(xt, wt)
    return outT.T

# --- scband reference (transcript-rebuilt; emitter-appended) ---
"""Pipeline reference for scband-skipgram-13125420056581 (READ-ONLY COPY).

The authoritative reference and input builder live on the scoring server;
editing this copy changes nothing except your own understanding.
"""

import jax, jax.numpy as jnp
import numpy as np

N_FEATURES = 100000
N_HIDDEN = 16
BATCH = 1024

def setup_inputs(seed: int = 0) -> dict:
    key = jax.random.key(seed)
    k1, k2, k3, k4 = jax.random.split(key, 4)
    data = jax.random.randint(k1, (BATCH,), 0, N_FEATURES, dtype=jnp.int64 if jax.config.jax_enable_x64 else jnp.int32)
    # nn.Embedding default init: N(0,1)
    emb = jax.random.normal(k2, (N_FEATURES, N_HIDDEN), dtype=jnp.float32)
    # nn.Linear default init: U(-1/sqrt(fan_in), 1/sqrt(fan_in))
    bound = 1.0 / np.sqrt(N_HIDDEN)
    W = jax.random.uniform(k3, (N_FEATURES, N_HIDDEN), dtype=jnp.float32, minval=-bound, maxval=bound)
    b = jax.random.uniform(k4, (N_FEATURES,), dtype=jnp.float32, minval=-bound, maxval=bound)
    return {"data": data, "emb": emb, "W": W, "b": b}

def reference(data, emb, W, b):
    # x = self.embedding0(data)
    x = jnp.take(emb, data, axis=0)           # [B, n_hidden]
    # x = self.linear1(x)
    out = x @ W.T + b                          # [B, n_features]
    return out

if __name__ == "__main__":
    import jax
    _d = setup_inputs()
    print(jax.jit(kernel)(*tuple(_d.values())))

</pallas_src>

<mosaic_0001>
#map = affine_map<(d0, d1) -> (0)>
#map1 = affine_map<(d0, d1) -> (0, 0)>
module attributes {stable_mosaic.version = 14 : i64} {
  func.func @gather_kernel(%arg0: i32, %arg1: i32, %arg2: memref<1600000xf32, #tpu.memory_space<hbm>>, %arg3: memref<1024xi32, #tpu.memory_space<hbm>>, %arg4: memref<17x1024xf32, #tpu.memory_space<hbm>>, %arg5: memref<32xi32, #tpu.memory_space<vmem>>, %arg6: memref<4x128xi32, #tpu.memory_space<vmem>>, %arg7: memref<4x128xf32, #tpu.memory_space<vmem>>, %arg8: memref<32xf32, #tpu.memory_space<vmem>>, %arg9: memref<!tpu.dma_semaphore, #tpu.memory_space<semaphore_mem>>) attributes {dimension_semantics = [#tpu.dimension_semantics<core_parallel>, #tpu.dimension_semantics<subcore_parallel>], iteration_bounds = array<i64: 2, 16>, scalar_prefetch = 0 : i64, scratch_operands = 5 : i64, tpu.core_type = #tpu.core_type<sc_vector_subcore>, window_params = [{transform_indices = #map}, {transform_indices = #map}, {transform_indices = #map1}]} {
    %mul3A = arith.constant 2 : i32
    %mul3A_0 = arith.muli %arg1, %mul3A : i32
    %add3A = arith.addi %mul3A_0, %arg0 : i32
    %mul3A_1 = arith.constant 32 : i32
    %mul3A_2 = arith.muli %add3A, %mul3A_1 : i32
    "tpu.region"() ({
      %run_scoped3A_346 = tpu.sem_alloc : memref<!tpu.dma_semaphore, #tpu.memory_space<semaphore_mem>>
      %dma_start3A_347 = tpu.memref_slice %arg3[%mul3A_2] : memref<1024xi32, #tpu.memory_space<hbm>> -> memref<32xi32, #tpu.memory_space<hbm>>
      %dma_start3A_348 = tpu.memref_slice %arg3[%mul3A_2] : memref<1024xi32, #tpu.memory_space<hbm>> -> memref<32xi32, #tpu.memory_space<hbm>>
      tpu.enqueue_dma source(%dma_start3A_348 : memref<32xi32, #tpu.memory_space<hbm>>) target(%arg5 : memref<32xi32, #tpu.memory_space<vmem>>) target_semaphore(%run_scoped3A_346 : memref<!tpu.dma_semaphore, #tpu.memory_space<semaphore_mem>>)
      %dma_wait3A_349 = tpu.memref_slice %arg3[%mul3A_2] : memref<1024xi32, #tpu.memory_space<hbm>> -> memref<32xi32, #tpu.memory_space<hbm>>
      %dma_wait3A_350 = tpu.memref_slice %arg3[%mul3A_2] : memref<1024xi32, #tpu.memory_space<hbm>> -> memref<32xi32, #tpu.memory_space<hbm>>
      tpu.wait_dma2 semaphore(%run_scoped3A_346 : memref<!tpu.dma_semaphore, #tpu.memory_space<semaphore_mem>>) src(%dma_wait3A_350 : memref<32xi32, #tpu.memory_space<hbm>>) dst(%arg5 : memref<32xi32, #tpu.memory_space<vmem>>)
      tpu.yield
    }) : () -> ()
    %get3A = arith.constant 0 : index
    %get3A_3 = tpu.vector_load %arg5[%get3A] {strides = array<i32>} : memref<32xi32, #tpu.memory_space<vmem>>, vector<16xi32>,
    %broadcast_in_dim3A = arith.constant 1.000000e+00 : f32
    %broadcast_in_dim3A_4 = vector.broadcast %broadcast_in_dim3A : f32 to vector<16xf32>
    %swap3A = arith.constant 0 : index
    %swap3A_5 = tpu.vector_load %arg8[%swap3A] {strides = array<i32>} : memref<32xf32, #tpu.memory_space<vmem>>, vector<16xf32>,
    tpu.vector_store %arg8[%swap3A], %broadcast_in_dim3A_4 {strides = array<i32>} : memref<32xf32, #tpu.memory_space<vmem>>, vector<16xf32>,
    %add3A_6 = arith.constant 0 : i32
    %add3A_7 = vector.broadcast %add3A_6 : i32 to vector<16xi32>
    %add3A_8 = arith.addi %get3A_3, %add3A_7 : vector<16xi32>
    %swap3A_9 = arith.constant 0 : i32
    %swap3A_10 = arith.index_cast %swap3A_9 : i32 to index
    %swap3A_11 = arith.constant 0 : index
    %swap3A_12 = tpu.vector_load %arg6[%swap3A_10, %swap3A_11] {strides = array<i32>} : memref<4x128xi32, #tpu.memory_space<vmem>>, vector<16xi32>,
    tpu.vector_store %arg6[%swap3A_10, %swap3A_11], %add3A_8 {strides = array<i32>} : memref<4x128xi32, #tpu.memory_space<vmem>>, vector<16xi32>,
    %add3A_13 = arith.constant 100000 : i32
    %add3A_14 = vector.broadcast %add3A_13 : i32 to vector<16xi32>
    %add3A_15 = arith.addi %get3A_3, %add3A_14 : vector<16xi32>
    %swap3A_16 = arith.constant 0 : i32
    %swap3A_17 = arith.index_cast %swap3A_16 : i32 to index
    %swap3A_18 = arith.constant 32 : index
    %swap3A_19 = tpu.vector_load %arg6[%swap3A_17, %swap3A_18] {strides = array<i32>} : memref<4x128xi32, #tpu.memory_space<vmem>>, vector<16xi32>,
    tpu.vector_store %arg6[%swap3A_17, %swap3A_18], %add3A_15 {strides = array<i32>} : memref<4x128xi32, #tpu.memory_space<vmem>>, vector<16xi32>,
    %add3A_20 = arith.constant 200000 : i32
    %add3A_21 = vector.broadcast %add3A_20 : i32 to vector<16xi32>
    %add3A_22 = arith.addi %get3A_3, %add3A_21 : vector<16xi32>
    %swap3A_23 = arith.constant 0 : i32
    %swap3A_24 = arith.index_cast %swap3A_23 : i32 to index
    %swap3A_25 = arith.constant 64 : index
    %swap3A_26 = tpu.vector_load %arg6[%swap3A_24, %swap3A_25] {strides = array<i32>} : memref<4x128xi32, #tpu.memory_space<vmem>>, vector<16xi32>,
    tpu.vector_store %arg6[%swap3A_24, %swap3A_25], %add3A_22 {strides = array<i32>} : memref<4x128xi32, #tpu.memory_space<vmem>>, vector<16xi32>,
    %add3A_27 = arith.constant 300000 : i32
    %add3A_28 = vector.broadcast %add3A_27 : i32 to vector<16xi32>
    %add3A_29 = arith.addi %get3A_3, %add3A_28 : vector<16xi32>
    %swap3A_30 = arith.constant 0 : i32
    %swap3A_31 = arith.index_cast %swap3A_30 : i32 to index
    %swap3A_32 = arith.constant 96 : index
    %swap3A_33 = tpu.vector_load %arg6[%swap3A_31, %swap3A_32] {strides = array<i32>} : memref<4x128xi32, #tpu.memory_space<vmem>>, vector<16xi32>,
    tpu.vector_store %arg6[%swap3A_31, %swap3A_32], %add3A_29 {strides = array<i32>} : memref<4x128xi32, #tpu.memory_space<vmem>>, vector<16xi32>,
    %add3A_34 = arith.constant 400000 : i32
    %add3A_35 = vector.broadcast %add3A_34 : i32 to vector<16xi32>
    %add3A_36 = arith.addi %get3A_3, %add3A_35 : vector<16xi32>
    %swap3A_37 = arith.constant 1 : i32
    %swap3A_38 = arith.index_cast %swap3A_37 : i32 to index
    %swap3A_39 = arith.constant 0 : index
    %swap3A_40 = tpu.vector_load %arg6[%swap3A_38, %swap3A_39] {strides = array<i32>} : memref<4x128xi32, #tpu.memory_space<vmem>>, vector<16xi32>,
    tpu.vector_store %arg6[%swap3A_38, %swap3A_39], %add3A_36 {strides = array<i32>} : memref<4x128xi32, #tpu.memory_space<vmem>>, vector<16xi32>,
    %add3A_41 = arith.constant 500000 : i32
    %add3A_42 = vector.broadcast %add3A_41 : i32 to vector<16xi32>
    %add3A_43 = arith.addi %get3A_3, %add3A_42 : vector<16xi32>
    %swap3A_44 = arith.constant 1 : i32
    %swap3A_45 = arith.index_cast %swap3A_44 : i32 to index
    %swap3A_46 = arith.constant 32 : index
    %swap3A_47 = tpu.vector_load %arg6[%swap3A_45, %swap3A_46] {strides = array<i32>} : memref<4x128xi32, #tpu.memory_space<vmem>>, vector<16xi32>,
    tpu.vector_store %arg6[%swap3A_45, %swap3A_46], %add3A_43 {strides = array<i32>} : memref<4x128xi32, #tpu.memory_space<vmem>>, vector<16xi32>,
    %add3A_48 = arith.constant 600000 : i32
    %add3A_49 = vector.broadcast %add3A_48 : i32 to vector<16xi32>
    %add3A_50 = arith.addi %get3A_3, %add3A_49 : vector<16xi32>
    %swap3A_51 = arith.constant 1 : i32
    %swap3A_52 = arith.index_cast %swap3A_51 : i32 to index
    %swap3A_53 = arith.constant 64 : index
    %swap3A_54 = tpu.vector_load %arg6[%swap3A_52, %swap3A_53] {strides = array<i32>} : memref<4x128xi32, #tpu.memory_space<vmem>>, vector<16xi32>,
    tpu.vector_store %arg6[%swap3A_52, %swap3A_53], %add3A_50 {strides = array<i32>} : memref<4x128xi32, #tpu.memory_space<vmem>>, vector<16xi32>,
    %add3A_55 = arith.constant 700000 : i32
    %add3A_56 = vector.broadcast %add3A_55 : i32 to vector<16xi32>
    %add3A_57 = arith.addi %get3A_3, %add3A_56 : vector<16xi32>
    %swap3A_58 = arith.constant 1 : i32
    %swap3A_59 = arith.index_cast %swap3A_58 : i32 to index
    %swap3A_60 = arith.constant 96 : index
    %swap3A_61 = tpu.vector_load %arg6[%swap3A_59, %swap3A_60] {strides = array<i32>} : memref<4x128xi32, #tpu.memory_space<vmem>>, vector<16xi32>,
    tpu.vector_store %arg6[%swap3A_59, %swap3A_60], %add3A_57 {strides = array<i32>} : memref<4x128xi32, #tpu.memory_space<vmem>>, vector<16xi32>,
    %add3A_62 = arith.constant 800000 : i32
    %add3A_63 = vector.broadcast %add3A_62 : i32 to vector<16xi32>
    %add3A_64 = arith.addi %get3A_3, %add3A_63 : vector<16xi32>
    %swap3A_65 = arith.constant 2 : i32
    %swap3A_66 = arith.index_cast %swap3A_65 : i32 to index
    %swap3A_67 = arith.constant 0 : index
    %swap3A_68 = tpu.vector_load %arg6[%swap3A_66, %swap3A_67] {strides = array<i32>} : memref<4x128xi32, #tpu.memory_space<vmem>>, vector<16xi32>,
    tpu.vector_store %arg6[%swap3A_66, %swap3A_67], %add3A_64 {strides = array<i32>} : memref<4x128xi32, #tpu.memory_space<vmem>>, vector<16xi32>,
    %add3A_69 = arith.constant 900000 : i32
    %add3A_70 = vector.broadcast %add3A_69 : i32 to vector<16xi32>
    %add3A_71 = arith.addi %get3A_3, %add3A_70 : vector<16xi32>
    %swap3A_72 = arith.constant 2 : i32
    %swap3A_73 = arith.index_cast %swap3A_72 : i32 to index
    %swap3A_74 = arith.constant 32 : index
    %swap3A_75 = tpu.vector_load %arg6[%swap3A_73, %swap3A_74] {strides = array<i32>} : memref<4x128xi32, #tpu.memory_space<vmem>>, vector<16xi32>,
    tpu.vector_store %arg6[%swap3A_73, %swap3A_74], %add3A_71 {strides = array<i32>} : memref<4x128xi32, #tpu.memory_space<vmem>>, vector<16xi32>,
    %add3A_76 = arith.constant 1000000 : i32
    %add3A_77 = vector.broadcast %add3A_76 : i32 to vector<16xi32>
    %add3A_78 = arith.addi %get3A_3, %add3A_77 : vector<16xi32>
    %swap3A_79 = arith.constant 2 : i32
    %swap3A_80 = arith.index_cast %swap3A_79 : i32 to index
    %swap3A_81 = arith.constant 64 : index
    %swap3A_82 = tpu.vector_load %arg6[%swap3A_80, %swap3A_81] {strides = array<i32>} : memref<4x128xi32, #tpu.memory_space<vmem>>, vector<16xi32>,
    tpu.vector_store %arg6[%swap3A_80, %swap3A_81], %add3A_78 {strides = array<i32>} : memref<4x128xi32, #tpu.memory_space<vmem>>, vector<16xi32>,
    %add3A_83 = arith.constant 1100000 : i32
    %add3A_84 = vector.broadcast %add3A_83 : i32 to vector<16xi32>
    %add3A_85 = arith.addi %get3A_3, %add3A_84 : vector<16xi32>
    %swap3A_86 = arith.constant 2 : i32
    %swap3A_87 = arith.index_cast %swap3A_86 : i32 to index
    %swap3A_88 = arith.constant 96 : index
    %swap3A_89 = tpu.vector_load %arg6[%swap3A_87, %swap3A_88] {strides = array<i32>} : memref<4x128xi32, #tpu.memory_space<vmem>>, vector<16xi32>,
    tpu.vector_store %arg6[%swap3A_87, %swap3A_88], %add3A_85 {strides = array<i32>} : memref<4x128xi32, #tpu.memory_space<vmem>>, vector<16xi32>,
    %add3A_90 = arith.constant 1200000 : i32
    %add3A_91 = vector.broadcast %add3A_90 : i32 to vector<16xi32>
    %add3A_92 = arith.addi %get3A_3, %add3A_91 : vector<16xi32>
    %swap3A_93 = arith.constant 3 : i32
    %swap3A_94 = arith.index_cast %swap3A_93 : i32 to index
    %swap3A_95 = arith.constant 0 : index
    %swap3A_96 = tpu.vector_load %arg6[%swap3A_94, %swap3A_95] {strides = array<i32>} : memref<4x128xi32, #tpu.memory_space<vmem>>, vector<16xi32>,
    tpu.vector_store %arg6[%swap3A_94, %swap3A_95], %add3A_92 {strides = array<i32>} : memref<4x128xi32, #tpu.memory_space<vmem>>, vector<16xi32>,
    %add3A_97 = arith.constant 1300000 : i32
    %add3A_98 = vector.broadcast %add3A_97 : i32 to vector<16xi32>
    %add3A_99 = arith.addi %get3A_3, %add3A_98 : vector<16xi32>
    %swap3A_100 = arith.constant 3 : i32
    %swap3A_101 = arith.index_cast %swap3A_100 : i32 to index
    %swap3A_102 = arith.constant 32 : index
    %swap3A_103 = tpu.vector_load %arg6[%swap3A_101, %swap3A_102] {strides = array<i32>} : memref<4x128xi32, #tpu.memory_space<vmem>>, vector<16xi32>,
    tpu.vector_store %arg6[%swap3A_101, %swap3A_102], %add3A_99 {strides = array<i32>} : memref<4x128xi32, #tpu.memory_space<vmem>>, vector<16xi32>,
    %add3A_104 = arith.constant 1400000 : i32
    %add3A_105 = vector.broadcast %add3A_104 : i32 to vector<16xi32>
    %add3A_106 = arith.addi %get3A_3, %add3A_105 : vector<16xi32>
    %swap3A_107 = arith.constant 3 : i32
    %swap3A_108 = arith.index_cast %swap3A_107 : i32 to index
    %swap3A_109 = arith.constant 64 : index
    %swap3A_110 = tpu.vector_load %arg6[%swap3A_108, %swap3A_109] {strides = array<i32>} : memref<4x128xi32, #tpu.memory_space<vmem>>, vector<16xi32>,
    tpu.vector_store %arg6[%swap3A_108, %swap3A_109], %add3A_106 {strides = array<i32>} : memref<4x128xi32, #tpu.memory_space<vmem>>, vector<16xi32>,
    %add3A_111 = arith.constant 1500000 : i32
    %add3A_112 = vector.broadcast %add3A_111 : i32 to vector<16xi32>
    %add3A_113 = arith.addi %get3A_3, %add3A_112 : vector<16xi32>
    %swap3A_114 = arith.constant 3 : i32
    %swap3A_115 = arith.index_cast %swap3A_114 : i32 to index
    %swap3A_116 = arith.constant 96 : index
    %swap3A_117 = tpu.vector_load %arg6[%swap3A_115, %swap3A_116] {strides = array<i32>} : memref<4x128xi32, #tpu.memory_space<vmem>>, vector<16xi32>,
    tpu.vector_store %arg6[%swap3A_115, %swap3A_116], %add3A_113 {strides = array<i32>} : memref<4x128xi32, #tpu.memory_space<vmem>>, vector<16xi32>,
    %get3A_118 = arith.constant 16 : index
    %get3A_119 = tpu.vector_load %arg5[%get3A_118] {strides = array<i32>} : memref<32xi32, #tpu.memory_space<vmem>>, vector<16xi32>,
    %broadcast_in_dim3A_120 = arith.constant 1.000000e+00 : f32
    %broadcast_in_dim3A_121 = vector.broadcast %broadcast_in_dim3A_120 : f32 to vector<16xf32>
    %swap3A_122 = arith.constant 16 : index
    %swap3A_123 = tpu.vector_load %arg8[%swap3A_122] {strides = array<i32>} : memref<32xf32, #tpu.memory_space<vmem>>, vector<16xf32>,
    tpu.vector_store %arg8[%swap3A_122], %broadcast_in_dim3A_121 {strides = array<i32>} : memref<32xf32, #tpu.memory_space<vmem>>, vector<16xf32>,
    %add3A_124 = arith.constant 0 : i32
    %add3A_125 = vector.broadcast %add3A_124 : i32 to vector<16xi32>
    %add3A_126 = arith.addi %get3A_119, %add3A_125 : vector<16xi32>
    %swap3A_127 = arith.constant 0 : i32
    %swap3A_128 = arith.index_cast %swap3A_127 : i32 to index
    %swap3A_129 = arith.constant 16 : index
    %swap3A_130 = tpu.vector_load %arg6[%swap3A_128, %swap3A_129] {strides = array<i32>} : memref<4x128xi32, #tpu.memory_space<vmem>>, vector<16xi32>,
    tpu.vector_store %arg6[%swap3A_128, %swap3A_129], %add3A_126 {strides = array<i32>} : memref<4x128xi32, #tpu.memory_space<vmem>>, vector<16xi32>,
    %add3A_131 = arith.constant 100000 : i32
    %add3A_132 = vector.broadcast %add3A_131 : i32 to vector<16xi32>
    %add3A_133 = arith.addi %get3A_119, %add3A_132 : vector<16xi32>
    %swap3A_134 = arith.constant 0 : i32
    %swap3A_135 = arith.index_cast %swap3A_134 : i32 to index
    %swap3A_136 = arith.constant 48 : index
    %swap3A_137 = tpu.vector_load %arg6[%swap3A_135, %swap3A_136] {strides = array<i32>} : memref<4x128xi32, #tpu.memory_space<vmem>>, vector<16xi32>,
    tpu.vector_store %arg6[%swap3A_135, %swap3A_136], %add3A_133 {strides = array<i32>} : memref<4x128xi32, #tpu.memory_space<vmem>>, vector<16xi32>,
    %add3A_138 = arith.constant 200000 : i32
    %add3A_139 = vector.broadcast %add3A_138 : i32 to vector<16xi32>
    %add3A_140 = arith.addi %get3A_119, %add3A_139 : vector<16xi32>
    %swap3A_141 = arith.constant 0 : i32
    %swap3A_142 = arith.index_cast %swap3A_141 : i32 to index
    %swap3A_143 = arith.constant 80 : index
    %swap3A_144 = tpu.vector_load %arg6[%swap3A_142, %swap3A_143] {strides = array<i32>} : memref<4x128xi32, #tpu.memory_space<vmem>>, vector<16xi32>,
    tpu.vector_store %arg6[%swap3A_142, %swap3A_143], %add3A_140 {strides = array<i32>} : memref<4x128xi32, #tpu.memory_space<vmem>>, vector<16xi32>,
    %add3A_145 = arith.constant 300000 : i32
    %add3A_146 = vector.broadcast %add3A_145 : i32 to vector<16xi32>
    %add3A_147 = arith.addi %get3A_119, %add3A_146 : vector<16xi32>
    %swap3A_148 = arith.constant 0 : i32
    %swap3A_149 = arith.index_cast %swap3A_148 : i32 to index
    %swap3A_150 = arith.constant 112 : index
    %swap3A_151 = tpu.vector_load %arg6[%swap3A_149, %swap3A_150] {strides = array<i32>} : memref<4x128xi32, #tpu.memory_space<vmem>>, vector<16xi32>,
    tpu.vector_store %arg6[%swap3A_149, %swap3A_150], %add3A_147 {strides = array<i32>} : memref<4x128xi32, #tpu.memory_space<vmem>>, vector<16xi32>,
    %add3A_152 = arith.constant 400000 : i32
    %add3A_153 = vector.broadcast %add3A_152 : i32 to vector<16xi32>
    %add3A_154 = arith.addi %get3A_119, %add3A_153 : vector<16xi32>
    %swap3A_155 = arith.constant 1 : i32
    %swap3A_156 = arith.index_cast %swap3A_155 : i32 to index
    %swap3A_157 = arith.constant 16 : index
    %swap3A_158 = tpu.vector_load %arg6[%swap3A_156, %swap3A_157] {strides = array<i32>} : memref<4x128xi32, #tpu.memory_space<vmem>>, vector<16xi32>,
    tpu.vector_store %arg6[%swap3A_156, %swap3A_157], %add3A_154 {strides = array<i32>} : memref<4x128xi32, #tpu.memory_space<vmem>>, vector<16xi32>,
    %add3A_159 = arith.constant 500000 : i32
    %add3A_160 = vector.broadcast %add3A_159 : i32 to vector<16xi32>
    %add3A_161 = arith.addi %get3A_119, %add3A_160 : vector<16xi32>
    %swap3A_162 = arith.constant 1 : i32
    %swap3A_163 = arith.index_cast %swap3A_162 : i32 to index
    %swap3A_164 = arith.constant 48 : index
    %swap3A_165 = tpu.vector_load %arg6[%swap3A_163, %swap3A_164] {strides = array<i32>} : memref<4x128xi32, #tpu.memory_space<vmem>>, vector<16xi32>,
    tpu.vector_store %arg6[%swap3A_163, %swap3A_164], %add3A_161 {strides = array<i32>} : memref<4x128xi32, #tpu.memory_space<vmem>>, vector<16xi32>,
    %add3A_166 = arith.constant 600000 : i32
    %add3A_167 = vector.broadcast %add3A_166 : i32 to vector<16xi32>
    %add3A_168 = arith.addi %get3A_119, %add3A_167 : vector<16xi32>
    %swap3A_169 = arith.constant 1 : i32
    %swap3A_170 = arith.index_cast %swap3A_169 : i32 to index
    %swap3A_171 = arith.constant 80 : index
    %swap3A_172 = tpu.vector_load %arg6[%swap3A_170, %swap3A_171] {strides = array<i32>} : memref<4x128xi32, #tpu.memory_space<vmem>>, vector<16xi32>,
    tpu.vector_store %arg6[%swap3A_170, %swap3A_171], %add3A_168 {strides = array<i32>} : memref<4x128xi32, #tpu.memory_space<vmem>>, vector<16xi32>,
    %add3A_173 = arith.constant 700000 : i32
    %add3A_174 = vector.broadcast %add3A_173 : i32 to vector<16xi32>
    %add3A_175 = arith.addi %get3A_119, %add3A_174 : vector<16xi32>
    %swap3A_176 = arith.constant 1 : i32
    %swap3A_177 = arith.index_cast %swap3A_176 : i32 to index
    %swap3A_178 = arith.constant 112 : index
    %swap3A_179 = tpu.vector_load %arg6[%swap3A_177, %swap3A_178] {strides = array<i32>} : memref<4x128xi32, #tpu.memory_space<vmem>>, vector<16xi32>,
    tpu.vector_store %arg6[%swap3A_177, %swap3A_178], %add3A_175 {strides = array<i32>} : memref<4x128xi32, #tpu.memory_space<vmem>>, vector<16xi32>,
    %add3A_180 = arith.constant 800000 : i32
    %add3A_181 = vector.broadcast %add3A_180 : i32 to vector<16xi32>
    %add3A_182 = arith.addi %get3A_119, %add3A_181 : vector<16xi32>
    %swap3A_183 = arith.constant 2 : i32
    %swap3A_184 = arith.index_cast %swap3A_183 : i32 to index
    %swap3A_185 = arith.constant 16 : index
    %swap3A_186 = tpu.vector_load %arg6[%swap3A_184, %swap3A_185] {strides = array<i32>} : memref<4x128xi32, #tpu.memory_space<vmem>>, vector<16xi32>,
    tpu.vector_store %arg6[%swap3A_184, %swap3A_185], %add3A_182 {strides = array<i32>} : memref<4x128xi32, #tpu.memory_space<vmem>>, vector<16xi32>,
    %add3A_187 = arith.constant 900000 : i32
    %add3A_188 = vector.broadcast %add3A_187 : i32 to vector<16xi32>
    %add3A_189 = arith.addi %get3A_119, %add3A_188 : vector<16xi32>
    %swap3A_190 = arith.constant 2 : i32
    %swap3A_191 = arith.index_cast %swap3A_190 : i32 to index
    %swap3A_192 = arith.constant 48 : index
    %swap3A_193 = tpu.vector_load %arg6[%swap3A_191, %swap3A_192] {strides = array<i32>} : memref<4x128xi32, #tpu.memory_space<vmem>>, vector<16xi32>,
    tpu.vector_store %arg6[%swap3A_191, %swap3A_192], %add3A_189 {strides = array<i32>} : memref<4x128xi32, #tpu.memory_space<vmem>>, vector<16xi32>,
    %add3A_194 = arith.constant 1000000 : i32
    %add3A_195 = vector.broadcast %add3A_194 : i32 to vector<16xi32>
    %add3A_196 = arith.addi %get3A_119, %add3A_195 : vector<16xi32>
    %swap3A_197 = arith.constant 2 : i32
    %swap3A_198 = arith.index_cast %swap3A_197 : i32 to index
    %swap3A_199 = arith.constant 80 : index
    %swap3A_200 = tpu.vector_load %arg6[%swap3A_198, %swap3A_199] {strides = array<i32>} : memref<4x128xi32, #tpu.memory_space<vmem>>, vector<16xi32>,
    tpu.vector_store %arg6[%swap3A_198, %swap3A_199], %add3A_196 {strides = array<i32>} : memref<4x128xi32, #tpu.memory_space<vmem>>, vector<16xi32>,
    %add3A_201 = arith.constant 1100000 : i32
    %add3A_202 = vector.broadcast %add3A_201 : i32 to vector<16xi32>
    %add3A_203 = arith.addi %get3A_119, %add3A_202 : vector<16xi32>
    %swap3A_204 = arith.constant 2 : i32
    %swap3A_205 = arith.index_cast %swap3A_204 : i32 to index
    %swap3A_206 = arith.constant 112 : index
    %swap3A_207 = tpu.vector_load %arg6[%swap3A_205, %swap3A_206] {strides = array<i32>} : memref<4x128xi32, #tpu.memory_space<vmem>>, vector<16xi32>,
    tpu.vector_store %arg6[%swap3A_205, %swap3A_206], %add3A_203 {strides = array<i32>} : memref<4x128xi32, #tpu.memory_space<vmem>>, vector<16xi32>,
    %add3A_208 = arith.constant 1200000 : i32
    %add3A_209 = vector.broadcast %add3A_208 : i32 to vector<16xi32>
    %add3A_210 = arith.addi %get3A_119, %add3A_209 : vector<16xi32>
    %swap3A_211 = arith.constant 3 : i32
    %swap3A_212 = arith.index_cast %swap3A_211 : i32 to index
    %swap3A_213 = arith.constant 16 : index
    %swap3A_214 = tpu.vector_load %arg6[%swap3A_212, %swap3A_213] {strides = array<i32>} : memref<4x128xi32, #tpu.memory_space<vmem>>, vector<16xi32>,
    tpu.vector_store %arg6[%swap3A_212, %swap3A_213], %add3A_210 {strides = array<i32>} : memref<4x128xi32, #tpu.memory_space<vmem>>, vector<16xi32>,
    %add3A_215 = arith.constant 1300000 : i32
    %add3A_216 = vector.broadcast %add3A_215 : i32 to vector<16xi32>
    %add3A_217 = arith.addi %get3A_119, %add3A_216 : vector<16xi32>
    %swap3A_218 = arith.constant 3 : i32
    %swap3A_219 = arith.index_cast %swap3A_218 : i32 to index
    %swap3A_220 = arith.constant 48 : index
    %swap3A_221 = tpu.vector_load %arg6[%swap3A_219, %swap3A_220] {strides = array<i32>} : memref<4x128xi32, #tpu.memory_space<vmem>>, vector<16xi32>,
    tpu.vector_store %arg6[%swap3A_219, %swap3A_220], %add3A_217 {strides = array<i32>} : memref<4x128xi32, #tpu.memory_space<vmem>>, vector<16xi32>,
    %add3A_222 = arith.constant 1400000 : i32
    %add3A_223 = vector.broadcast %add3A_222 : i32 to vector<16xi32>
    %add3A_224 = arith.addi %get3A_119, %add3A_223 : vector<16xi32>
    %swap3A_225 = arith.constant 3 : i32
    %swap3A_226 = arith.index_cast %swap3A_225 : i32 to index
    %swap3A_227 = arith.constant 80 : index
    %swap3A_228 = tpu.vector_load %arg6[%swap3A_226, %swap3A_227] {strides = array<i32>} : memref<4x128xi32, #tpu.memory_space<vmem>>, vector<16xi32>,
    tpu.vector_store %arg6[%swap3A_226, %swap3A_227], %add3A_224 {strides = array<i32>} : memref<4x128xi32, #tpu.memory_space<vmem>>, vector<16xi32>,
    %add3A_229 = arith.constant 1500000 : i32
    %add3A_230 = vector.broadcast %add3A_229 : i32 to vector<16xi32>
    %add3A_231 = arith.addi %get3A_119, %add3A_230 : vector<16xi32>
    %swap3A_232 = arith.constant 3 : i32
    %swap3A_233 = arith.index_cast %swap3A_232 : i32 to index
    %swap3A_234 = arith.constant 112 : index
    %swap3A_235 = tpu.vector_load %arg6[%swap3A_233, %swap3A_234] {strides = array<i32>} : memref<4x128xi32, #tpu.memory_space<vmem>>, vector<16xi32>,
    tpu.vector_store %arg6[%swap3A_233, %swap3A_234], %add3A_231 {strides = array<i32>} : memref<4x128xi32, #tpu.memory_space<vmem>>, vector<16xi32>,
    %dma_start3A = arith.constant 0 : i32
    %dma_start3A_236 = arith.constant 0 : i32
    %dma_start3A_237 = arith.constant 0 : i32
    %dma_start3A_238 = tpu.memref_slice %arg7[%dma_start3A_236, %dma_start3A_237] : memref<4x128xf32, #tpu.memory_space<vmem>> -> memref<1x128xf32, #tpu.memory_space<vmem>>
    %dma_start3A_239 = tpu.memref_squeeze %dma_start3A_238 : memref<1x128xf32, #tpu.memory_space<vmem>> -> memref<128xf32, #tpu.memory_space<vmem>>
    %dma_start3A_240 = arith.constant 0 : i32
    %dma_start3A_241 = tpu.memref_slice %arg6[%dma_start3A, %dma_start3A_240] : memref<4x128xi32, #tpu.memory_space<vmem>> -> memref<1x128xi32, #tpu.memory_space<vmem>>
    %dma_start3A_242 = tpu.memref_squeeze %dma_start3A_241 : memref<1x128xi32, #tpu.memory_space<vmem>> -> memref<128xi32, #tpu.memory_space<vmem>>
    %dma_start3A_243 = arith.constant 0 : i32
    %dma_start3A_244 = tpu.memref_slice %arg2[%dma_start3A_243] : memref<1600000xf32, #tpu.memory_space<hbm>> -> memref<1600000xf32, #tpu.memory_space<hbm>>
    tpu.enqueue_indirect_dma source(%dma_start3A_244 : memref<1600000xf32, #tpu.memory_space<hbm>>) target(%dma_start3A_239 : memref<128xf32, #tpu.memory_space<vmem>>) offsets(%dma_start3A_242 : memref<128xi32, #tpu.memory_space<vmem>>) semaphore(%arg9 : memref<!tpu.dma_semaphore, #tpu.memory_space<semaphore_mem>>)
    %dma_start3A_245 = arith.constant 1 : i32
    %dma_start3A_246 = arith.constant 1 : i32
    %dma_start3A_247 = arith.constant 0 : i32
    %dma_start3A_248 = tpu.memref_slice %arg7[%dma_start3A_246, %dma_start3A_247] : memref<4x128xf32, #tpu.memory_space<vmem>> -> memref<1x128xf32, #tpu.memory_space<vmem>>
    %dma_start3A_249 = tpu.memref_squeeze %dma_start3A_248 : memref<1x128xf32, #tpu.memory_space<vmem>> -> memref<128xf32, #tpu.memory_space<vmem>>
    %dma_start3A_250 = arith.constant 0 : i32
    %dma_start3A_251 = tpu.memref_slice %arg6[%dma_start3A_245, %dma_start3A_250] : memref<4x128xi32, #tpu.memory_space<vmem>> -> memref<1x128xi32, #tpu.memory_space<vmem>>
    %dma_start3A_252 = tpu.memref_squeeze %dma_start3A_251 : memref<1x128xi32, #tpu.memory_space<vmem>> -> memref<128xi32, #tpu.memory_space<vmem>>
    %dma_start3A_253 = arith.constant 0 : i32
    %dma_start3A_254 = tpu.memref_slice %arg2[%dma_start3A_253] : memref<1600000xf32, #tpu.memory_space<hbm>> -> memref<1600000xf32, #tpu.memory_space<hbm>>
    tpu.enqueue_indirect_dma source(%dma_start3A_254 : memref<1600000xf32, #tpu.memory_space<hbm>>) target(%dma_start3A_249 : memref<128xf32, #tpu.memory_space<vmem>>) offsets(%dma_start3A_252 : memref<128xi32, #tpu.memory_space<vmem>>) semaphore(%arg9 : memref<!tpu.dma_semaphore, #tpu.memory_space<semaphore_mem>>)
    %dma_start3A_255 = arith.constant 2 : i32
    %dma_start3A_256 = arith.constant 2 : i32
    %dma_start3A_257 = arith.constant 0 : i32
    %dma_start3A_258 = tpu.memref_slice %arg7[%dma_start3A_256, %dma_start3A_257] : memref<4x128xf32, #tpu.memory_space<vmem>> -> memref<1x128xf32, #tpu.memory_space<vmem>>
    %dma_start3A_259 = tpu.memref_squeeze %dma_start3A_258 : memref<1x128xf32, #tpu.memory_space<vmem>> -> memref<128xf32, #tpu.memory_space<vmem>>
    %dma_start3A_260 = arith.constant 0 : i32
    %dma_start3A_261 = tpu.memref_slice %arg6[%dma_start3A_255, %dma_start3A_260] : memref<4x128xi32, #tpu.memory_space<vmem>> -> memref<1x128xi32, #tpu.memory_space<vmem>>
    %dma_start3A_262 = tpu.memref_squeeze %dma_start3A_261 : memref<1x128xi32, #tpu.memory_space<vmem>> -> memref<128xi32, #tpu.memory_space<vmem>>
    %dma_start3A_263 = arith.constant 0 : i32
    %dma_start3A_264 = tpu.memref_slice %arg2[%dma_start3A_263] : memref<1600000xf32, #tpu.memory_space<hbm>> -> memref<1600000xf32, #tpu.memory_space<hbm>>
    tpu.enqueue_indirect_dma source(%dma_start3A_264 : memref<1600000xf32, #tpu.memory_space<hbm>>) target(%dma_start3A_259 : memref<128xf32, #tpu.memory_space<vmem>>) offsets(%dma_start3A_262 : memref<128xi32, #tpu.memory_space<vmem>>) semaphore(%arg9 : memref<!tpu.dma_semaphore, #tpu.memory_space<semaphore_mem>>)
    %dma_start3A_265 = arith.constant 3 : i32
    %dma_start3A_266 = arith.constant 3 : i32
    %dma_start3A_267 = arith.constant 0 : i32
    %dma_start3A_268 = tpu.memref_slice %arg7[%dma_start3A_266, %dma_start3A_267] : memref<4x128xf32, #tpu.memory_space<vmem>> -> memref<1x128xf32, #tpu.memory_space<vmem>>
    %dma_start3A_269 = tpu.memref_squeeze %dma_start3A_268 : memref<1x128xf32, #tpu.memory_space<vmem>> -> memref<128xf32, #tpu.memory_space<vmem>>
    %dma_start3A_270 = arith.constant 0 : i32
    %dma_start3A_271 = tpu.memref_slice %arg6[%dma_start3A_265, %dma_start3A_270] : memref<4x128xi32, #tpu.memory_space<vmem>> -> memref<1x128xi32, #tpu.memory_space<vmem>>
    %dma_start3A_272 = tpu.memref_squeeze %dma_start3A_271 : memref<1x128xi32, #tpu.memory_space<vmem>> -> memref<128xi32, #tpu.memory_space<vmem>>
    %dma_start3A_273 = arith.constant 0 : i32
    %dma_start3A_274 = tpu.memref_slice %arg2[%dma_start3A_273] : memref<1600000xf32, #tpu.memory_space<hbm>> -> memref<1600000xf32, #tpu.memory_space<hbm>>
    tpu.enqueue_indirect_dma source(%dma_start3A_274 : memref<1600000xf32, #tpu.memory_space<hbm>>) target(%dma_start3A_269 : memref<128xf32, #tpu.memory_space<vmem>>) offsets(%dma_start3A_272 : memref<128xi32, #tpu.memory_space<vmem>>) semaphore(%arg9 : memref<!tpu.dma_semaphore, #tpu.memory_space<semaphore_mem>>)
    %dma_wait3A = arith.constant 0 : i32
    %dma_wait3A_275 = arith.constant 0 : i32
    %dma_wait3A_276 = arith.constant 0 : i32
    %dma_wait3A_277 = tpu.memref_slice %arg7[%dma_wait3A_275, %dma_wait3A_276] : memref<4x128xf32, #tpu.memory_space<vmem>> -> memref<1x128xf32, #tpu.memory_space<vmem>>
    %dma_wait3A_278 = tpu.memref_squeeze %dma_wait3A_277 : memref<1x128xf32, #tpu.memory_space<vmem>> -> memref<128xf32, #tpu.memory_space<vmem>>
    %dma_wait3A_279 = arith.constant 0 : i32
    %dma_wait3A_280 = tpu.memref_slice %arg6[%dma_wait3A, %dma_wait3A_279] : memref<4x128xi32, #tpu.memory_space<vmem>> -> memref<1x128xi32, #tpu.memory_space<vmem>>
    %dma_wait3A_281 = tpu.memref_squeeze %dma_wait3A_280 : memref<1x128xi32, #tpu.memory_space<vmem>> -> memref<128xi32, #tpu.memory_space<vmem>>
    %dma_wait3A_282 = arith.constant 0 : i32
    %dma_wait3A_283 = tpu.memref_slice %arg2[%dma_wait3A_282] : memref<1600000xf32, #tpu.memory_space<hbm>> -> memref<1600000xf32, #tpu.memory_space<hbm>>
    tpu.wait_indirect_dma semaphore(%arg9 : memref<!tpu.dma_semaphore, #tpu.memory_space<semaphore_mem>>) src(%dma_wait3A_283 : memref<1600000xf32, #tpu.memory_space<hbm>>) dst(%dma_wait3A_278 : memref<128xf32, #tpu.memory_space<vmem>>)
    %dma_wait3A_284 = arith.constant 1 : i32
    %dma_wait3A_285 = arith.constant 1 : i32
    %dma_wait3A_286 = arith.constant 0 : i32
    %dma_wait3A_287 = tpu.memref_slice %arg7[%dma_wait3A_285, %dma_wait3A_286] : memref<4x128xf32, #tpu.memory_space<vmem>> -> memref<1x128xf32, #tpu.memory_space<vmem>>
    %dma_wait3A_288 = tpu.memref_squeeze %dma_wait3A_287 : memref<1x128xf32, #tpu.memory_space<vmem>> -> memref<128xf32, #tpu.memory_space<vmem>>
    %dma_wait3A_289 = arith.constant 0 : i32
    %dma_wait3A_290 = tpu.memref_slice %arg6[%dma_wait3A_284, %dma_wait3A_289] : memref<4x128xi32, #tpu.memory_space<vmem>> -> memref<1x128xi32, #tpu.memory_space<vmem>>
    %dma_wait3A_291 = tpu.memref_squeeze %dma_wait3A_290 : memref<1x128xi32, #tpu.memory_space<vmem>> -> memref<128xi32, #tpu.memory_space<vmem>>
    %dma_wait3A_292 = arith.constant 0 : i32
    %dma_wait3A_293 = tpu.memref_slice %arg2[%dma_wait3A_292] : memref<1600000xf32, #tpu.memory_space<hbm>> -> memref<1600000xf32, #tpu.memory_space<hbm>>
    tpu.wait_indirect_dma semaphore(%arg9 : memref<!tpu.dma_semaphore, #tpu.memory_space<semaphore_mem>>) src(%dma_wait3A_293 : memref<1600000xf32, #tpu.memory_space<hbm>>) dst(%dma_wait3A_288 : memref<128xf32, #tpu.memory_space<vmem>>)
    %dma_wait3A_294 = arith.constant 2 : i32
    %dma_wait3A_295 = arith.constant 2 : i32
    %dma_wait3A_296 = arith.constant 0 : i32
    %dma_wait3A_297 = tpu.memref_slice %arg7[%dma_wait3A_295, %dma_wait3A_296] : memref<4x128xf32, #tpu.memory_space<vmem>> -> memref<1x128xf32, #tpu.memory_space<vmem>>
    %dma_wait3A_298 = tpu.memref_squeeze %dma_wait3A_297 : memref<1x128xf32, #tpu.memory_space<vmem>> -> memref<128xf32, #tpu.memory_space<vmem>>
    %dma_wait3A_299 = arith.constant 0 : i32
    %dma_wait3A_300 = tpu.memref_slice %arg6[%dma_wait3A_294, %dma_wait3A_299] : memref<4x128xi32, #tpu.memory_space<vmem>> -> memref<1x128xi32, #tpu.memory_space<vmem>>
    %dma_wait3A_301 = tpu.memref_squeeze %dma_wait3A_300 : memref<1x128xi32, #tpu.memory_space<vmem>> -> memref<128xi32, #tpu.memory_space<vmem>>
    %dma_wait3A_302 = arith.constant 0 : i32
    %dma_wait3A_303 = tpu.memref_slice %arg2[%dma_wait3A_302] : memref<1600000xf32, #tpu.memory_space<hbm>> -> memref<1600000xf32, #tpu.memory_space<hbm>>
    tpu.wait_indirect_dma semaphore(%arg9 : memref<!tpu.dma_semaphore, #tpu.memory_space<semaphore_mem>>) src(%dma_wait3A_303 : memref<1600000xf32, #tpu.memory_space<hbm>>) dst(%dma_wait3A_298 : memref<128xf32, #tpu.memory_space<vmem>>)
    %dma_wait3A_304 = arith.constant 3 : i32
    %dma_wait3A_305 = arith.constant 3 : i32
    %dma_wait3A_306 = arith.constant 0 : i32
    %dma_wait3A_307 = tpu.memref_slice %arg7[%dma_wait3A_305, %dma_wait3A_306] : memref<4x128xf32, #tpu.memory_space<vmem>> -> memref<1x128xf32, #tpu.memory_space<vmem>>
    %dma_wait3A_308 = tpu.memref_squeeze %dma_wait3A_307 : memref<1x128xf32, #tpu.memory_space<vmem>> -> memref<128xf32, #tpu.memory_space<vmem>>
    %dma_wait3A_309 = arith.constant 0 : i32
    %dma_wait3A_310 = tpu.memref_slice %arg6[%dma_wait3A_304, %dma_wait3A_309] : memref<4x128xi32, #tpu.memory_space<vmem>> -> memref<1x128xi32, #tpu.memory_space<vmem>>
    %dma_wait3A_311 = tpu.memref_squeeze %dma_wait3A_310 : memref<1x128xi32, #tpu.memory_space<vmem>> -> memref<128xi32, #tpu.memory_space<vmem>>
    %dma_wait3A_312 = arith.constant 0 : i32
    %dma_wait3A_313 = tpu.memref_slice %arg2[%dma_wait3A_312] : memref<1600000xf32, #tpu.memory_space<hbm>> -> memref<1600000xf32, #tpu.memory_space<hbm>>
    tpu.wait_indirect_dma semaphore(%arg9 : memref<!tpu.dma_semaphore, #tpu.memory_space<semaphore_mem>>) src(%dma_wait3A_313 : memref<1600000xf32, #tpu.memory_space<hbm>>) dst(%dma_wait3A_308 : memref<128xf32, #tpu.memory_space<vmem>>)
    %run_scoped3A = arith.constant 0 : i32
    %run_scoped3A_314 = arith.constant 0 : i32
    "tpu.region"() ({
      %run_scoped3A_346 = tpu.sem_alloc : memref<!tpu.dma_semaphore, #tpu.memory_space<semaphore_mem>>
      %dma_start3A_347 = arith.constant 0 : i32
      %dma_start3A_348 = tpu.memref_slice %arg7[%run_scoped3A, %dma_start3A_347] : memref<4x128xf32, #tpu.memory_space<vmem>> -> memref<1x32xf32, #tpu.memory_space<vmem>>
      %dma_start3A_349 = tpu.memref_squeeze %dma_start3A_348 : memref<1x32xf32, #tpu.memory_space<vmem>> -> memref<32xf32, #tpu.memory_space<vmem>>
      %dma_start3A_350 = tpu.memref_slice %arg4[%run_scoped3A_314, %mul3A_2] : memref<17x1024xf32, #tpu.memory_space<hbm>> -> memref<1x32xf32, #tpu.memory_space<hbm>>
      %dma_start3A_351 = tpu.memref_squeeze %dma_start3A_350 : memref<1x32xf32, #tpu.memory_space<hbm>> -> memref<32xf32, #tpu.memory_space<hbm>>
      %dma_start3A_352 = tpu.memref_slice %arg4[%run_scoped3A_314, %mul3A_2] : memref<17x1024xf32, #tpu.memory_space<hbm>> -> memref<1x32xf32, #tpu.memory_space<hbm>>
      %dma_start3A_353 = tpu.memref_squeeze %dma_start3A_352 : memref<1x32xf32, #tpu.memory_space<hbm>> -> memref<32xf32, #tpu.memory_space<hbm>>
      %dma_start3A_354 = arith.constant 0 : i32
      %dma_start3A_355 = tpu.memref_slice %arg7[%run_scoped3A, %dma_start3A_354] : memref<4x128xf32, #tpu.memory_space<vmem>> -> memref<1x32xf32, #tpu.memory_space<vmem>>
      %dma_start3A_356 = tpu.memref_squeeze %dma_start3A_355 : memref<1x32xf32, #tpu.memory_space<vmem>> -> memref<32xf32, #tpu.memory_space<vmem>>
      tpu.enqueue_dma source(%dma_start3A_356 : memref<32xf32, #tpu.memory_space<vmem>>) target(%dma_start3A_353 : memref<32xf32, #tpu.memory_space<hbm>>) target_semaphore(%run_scoped3A_346 : memref<!tpu.dma_semaphore, #tpu.memory_space<semaphore_mem>>)
      %dma_wait3A_357 = arith.constant 0 : i32
      %dma_wait3A_358 = tpu.memref_slice %arg7[%run_scoped3A, %dma_wait3A_357] : memref<4x128xf32, #tpu.memory_space<vmem>> -> memref<1x32xf32, #tpu.memory_space<vmem>>
      %dma_wait3A_359 = tpu.memref_squeeze %dma_wait3A_358 : memref<1x32xf32, #tpu.memory_space<vmem>> -> memref<32xf32, #tpu.memory_space<vmem>>
      %dma_wait3A_360 = tpu.memref_slice %arg4[%run_scoped3A_314, %mul3A_2] : memref<17x1024xf32, #tpu.memory_space<hbm>> -> memref<1x32xf32, #tpu.memory_space<hbm>>
      %dma_wait3A_361 = tpu.memref_squeeze %dma_wait3A_360 : memref<1x32xf32, #tpu.memory_space<hbm>> -> memref<32xf32, #tpu.memory_space<hbm>>
      %dma_wait3A_362 = tpu.memref_slice %arg4[%run_scoped3A_314, %mul3A_2] : memref<17x1024xf32, #tpu.memory_space<hbm>> -> memref<1x32xf32, #tpu.memory_space<hbm>>
      %dma_wait3A_363 = tpu.memref_squeeze %dma_wait3A_362 : memref<1x32xf32, #tpu.memory_space<hbm>> -> memref<32xf32, #tpu.memory_space<hbm>>
      %dma_wait3A_364 = arith.constant 0 : i32
      %dma_wait3A_365 = tpu.memref_slice %arg7[%run_scoped3A, %dma_wait3A_364] : memref<4x128xf32, #tpu.memory_space<vmem>> -> memref<1x32xf32, #tpu.memory_space<vmem>>
      %dma_wait3A_366 = tpu.memref_squeeze %dma_wait3A_365 : memref<1x32xf32, #tpu.memory_space<vmem>> -> memref<32xf32, #tpu.memory_space<vmem>>
      tpu.wait_dma2 semaphore(%run_scoped3A_346 : memref<!tpu.dma_semaphore, #tpu.memory_space<semaphore_mem>>) src(%dma_wait3A_366 : memref<32xf32, #tpu.memory_space<vmem>>) dst(%dma_wait3A_363 : memref<32xf32, #tpu.memory_space<hbm>>)
      tpu.yield
    }) : () -> ()
    %run_scoped3A_315 = arith.constant 0 : i32
    %run_scoped3A_316 = arith.constant 1 : i32
    "tpu.region"() ({
      %run_scoped3A_346 = tpu.sem_alloc : memref<!tpu.dma_semaphore, #tpu.memory_space<semaphore_mem>>
      %dma_start3A_347 = arith.constant 32 : i32
      %dma_start3A_348 = tpu.memref_slice %arg7[%run_scoped3A_315, %dma_start3A_347] : memref<4x128xf32, #tpu.memory_space<vmem>> -> memref<1x32xf32, #tpu.memory_space<vmem>>
      %dma_start3A_349 = tpu.memref_squeeze %dma_start3A_348 : memref<1x32xf32, #tpu.memory_space<vmem>> -> memref<32xf32, #tpu.memory_space<vmem>>
      %dma_start3A_350 = tpu.memref_slice %arg4[%run_scoped3A_316, %mul3A_2] : memref<17x1024xf32, #tpu.memory_space<hbm>> -> memref<1x32xf32, #tpu.memory_space<hbm>>
      %dma_start3A_351 = tpu.memref_squeeze %dma_start3A_350 : memref<1x32xf32, #tpu.memory_space<hbm>> -> memref<32xf32, #tpu.memory_space<hbm>>
      %dma_start3A_352 = tpu.memref_slice %arg4[%run_scoped3A_316, %mul3A_2] : memref<17x1024xf32, #tpu.memory_space<hbm>> -> memref<1x32xf32, #tpu.memory_space<hbm>>
      %dma_start3A_353 = tpu.memref_squeeze %dma_start3A_352 : memref<1x32xf32, #tpu.memory_space<hbm>> -> memref<32xf32, #tpu.memory_space<hbm>>
      %dma_start3A_354 = arith.constant 32 : i32
      %dma_start3A_355 = tpu.memref_slice %arg7[%run_scoped3A_315, %dma_start3A_354] : memref<4x128xf32, #tpu.memory_space<vmem>> -> memref<1x32xf32, #tpu.memory_space<vmem>>
      %dma_start3A_356 = tpu.memref_squeeze %dma_start3A_355 : memref<1x32xf32, #tpu.memory_space<vmem>> -> memref<32xf32, #tpu.memory_space<vmem>>
      tpu.enqueue_dma source(%dma_start3A_356 : memref<32xf32, #tpu.memory_space<vmem>>) target(%dma_start3A_353 : memref<32xf32, #tpu.memory_space<hbm>>) target_semaphore(%run_scoped3A_346 : memref<!tpu.dma_semaphore, #tpu.memory_space<semaphore_mem>>)
      %dma_wait3A_357 = arith.constant 32 : i32
      %dma_wait3A_358 = tpu.memref_slice %arg7[%run_scoped3A_315, %dma_wait3A_357] : memref<4x128xf32, #tpu.memory_space<vmem>> -> memref<1x32xf32, #tpu.memory_space<vmem>>
      %dma_wait3A_359 = tpu.memref_squeeze %dma_wait3A_358 : memref<1x32xf32, #tpu.memory_space<vmem>> -> memref<32xf32, #tpu.memory_space<vmem>>
      %dma_wait3A_360 = tpu.memref_slice %arg4[%run_scoped3A_316, %mul3A_2] : memref<17x1024xf32, #tpu.memory_space<hbm>> -> memref<1x32xf32, #tpu.memory_space<hbm>>
      %dma_wait3A_361 = tpu.memref_squeeze %dma_wait3A_360 : memref<1x32xf32, #tpu.memory_space<hbm>> -> memref<32xf32, #tpu.memory_space<hbm>>
      %dma_wait3A_362 = tpu.memref_slice %arg4[%run_scoped3A_316, %mul3A_2] : memref<17x1024xf32, #tpu.memory_space<hbm>> -> memref<1x32xf32, #tpu.memory_space<hbm>>
      %dma_wait3A_363 = tpu.memref_squeeze %dma_wait3A_362 : memref<1x32xf32, #tpu.memory_space<hbm>> -> memref<32xf32, #tpu.memory_space<hbm>>
      %dma_wait3A_364 = arith.constant 32 : i32
      %dma_wait3A_365 = tpu.memref_slice %arg7[%run_scoped3A_315, %dma_wait3A_364] : memref<4x128xf32, #tpu.memory_space<vmem>> -> memref<1x32xf32, #tpu.memory_space<vmem>>
      %dma_wait3A_366 = tpu.memref_squeeze %dma_wait3A_365 : memref<1x32xf32, #tpu.memory_space<vmem>> -> memref<32xf32, #tpu.memory_space<vmem>>
      tpu.wait_dma2 semaphore(%run_scoped3A_346 : memref<!tpu.dma_semaphore, #tpu.memory_space<semaphore_mem>>) src(%dma_wait3A_366 : memref<32xf32, #tpu.memory_space<vmem>>) dst(%dma_wait3A_363 : memref<32xf32, #tpu.memory_space<hbm>>)
      tpu.yield
    }) : () -> ()
    %run_scoped3A_317 = arith.constant 0 : i32
    %run_scoped3A_318 = arith.constant 2 : i32
    "tpu.region"() ({
      %run_scoped3A_346 = tpu.sem_alloc : memref<!tpu.dma_semaphore, #tpu.memory_space<semaphore_mem>>
      %dma_start3A_347 = arith.constant 64 : i32
      %dma_start3A_348 = tpu.memref_slice %arg7[%run_scoped3A_317, %dma_start3A_347] : memref<4x128xf32, #tpu.memory_space<vmem>> -> memref<1x32xf32, #tpu.memory_space<vmem>>
      %dma_start3A_349 = tpu.memref_squeeze %dma_start3A_348 : memref<1x32xf32, #tpu.memory_space<vmem>> -> memref<32xf32, #tpu.memory_space<vmem>>
      %dma_start3A_350 = tpu.memref_slice %arg4[%run_scoped3A_318, %mul3A_2] : memref<17x1024xf32, #tpu.memory_space<hbm>> -> memref<1x32xf32, #tpu.memory_space<hbm>>
      %dma_start3A_351 = tpu.memref_squeeze %dma_start3A_350 : memref<1x32xf32, #tpu.memory_space<hbm>> -> memref<32xf32, #tpu.memory_space<hbm>>
      %dma_start3A_352 = tpu.memref_slice %arg4[%run_scoped3A_318, %mul3A_2] : memref<17x1024xf32, #tpu.memory_space<hbm>> -> memref<1x32xf32, #tpu.memory_space<hbm>>
      %dma_start3A_353 = tpu.memref_squeeze %dma_start3A_352 : memref<1x32xf32, #tpu.memory_space<hbm>> -> memref<32xf32, #tpu.memory_space<hbm>>
      %dma_start3A_354 = arith.constant 64 : i32
      %dma_start3A_355 = tpu.memref_slice %arg7[%run_scoped3A_317, %dma_start3A_354] : memref<4x128xf32, #tpu.memory_space<vmem>> -> memref<1x32xf32, #tpu.memory_space<vmem>>
      %dma_start3A_356 = tpu.memref_squeeze %dma_start3A_355 : memref<1x32xf32, #tpu.memory_space<vmem>> -> memref<32xf32, #tpu.memory_space<vmem>>
      tpu.enqueue_dma source(%dma_start3A_356 : memref<32xf32, #tpu.memory_space<vmem>>) target(%dma_start3A_353 : memref<32xf32, #tpu.memory_space<hbm>>) target_semaphore(%run_scoped3A_346 : memref<!tpu.dma_semaphore, #tpu.memory_space<semaphore_mem>>)
      %dma_wait3A_357 = arith.constant 64 : i32
      %dma_wait3A_358 = tpu.memref_slice %arg7[%run_scoped3A_317, %dma_wait3A_357] : memref<4x128xf32, #tpu.memory_space<vmem>> -> memref<1x32xf32, #tpu.memory_space<vmem>>
      %dma_wait3A_359 = tpu.memref_squeeze %dma_wait3A_358 : memref<1x32xf32, #tpu.memory_space<vmem>> -> memref<32xf32, #tpu.memory_space<vmem>>
      %dma_wait3A_360 = tpu.memref_slice %arg4[%run_scoped3A_318, %mul3A_2] : memref<17x1024xf32, #tpu.memory_space<hbm>> -> memref<1x32xf32, #tpu.memory_space<hbm>>
      %dma_wait3A_361 = tpu.memref_squeeze %dma_wait3A_360 : memref<1x32xf32, #tpu.memory_space<hbm>> -> memref<32xf32, #tpu.memory_space<hbm>>
      %dma_wait3A_362 = tpu.memref_slice %arg4[%run_scoped3A_318, %mul3A_2] : memref<17x1024xf32, #tpu.memory_space<hbm>> -> memref<1x32xf32, #tpu.memory_space<hbm>>
      %dma_wait3A_363 = tpu.memref_squeeze %dma_wait3A_362 : memref<1x32xf32, #tpu.memory_space<hbm>> -> memref<32xf32, #tpu.memory_space<hbm>>
      %dma_wait3A_364 = arith.constant 64 : i32
      %dma_wait3A_365 = tpu.memref_slice %arg7[%run_scoped3A_317, %dma_wait3A_364] : memref<4x128xf32, #tpu.memory_space<vmem>> -> memref<1x32xf32, #tpu.memory_space<vmem>>
      %dma_wait3A_366 = tpu.memref_squeeze %dma_wait3A_365 : memref<1x32xf32, #tpu.memory_space<vmem>> -> memref<32xf32, #tpu.memory_space<vmem>>
      tpu.wait_dma2 semaphore(%run_scoped3A_346 : memref<!tpu.dma_semaphore, #tpu.memory_space<semaphore_mem>>) src(%dma_wait3A_366 : memref<32xf32, #tpu.memory_space<vmem>>) dst(%dma_wait3A_363 : memref<32xf32, #tpu.memory_space<hbm>>)
      tpu.yield
    }) : () -> ()
    %run_scoped3A_319 = arith.constant 0 : i32
    %run_scoped3A_320 = arith.constant 3 : i32
    "tpu.region"() ({
      %run_scoped3A_346 = tpu.sem_alloc : memref<!tpu.dma_semaphore, #tpu.memory_space<semaphore_mem>>
      %dma_start3A_347 = arith.constant 96 : i32
      %dma_start3A_348 = tpu.memref_slice %arg7[%run_scoped3A_319, %dma_start3A_347] : memref<4x128xf32, #tpu.memory_space<vmem>> -> memref<1x32xf32, #tpu.memory_space<vmem>>
      %dma_start3A_349 = tpu.memref_squeeze %dma_start3A_348 : memref<1x32xf32, #tpu.memory_space<vmem>> -> memref<32xf32, #tpu.memory_space<vmem>>
      %dma_start3A_350 = tpu.memref_slice %arg4[%run_scoped3A_320, %mul3A_2] : memref<17x1024xf32, #tpu.memory_space<hbm>> -> memref<1x32xf32, #tpu.memory_space<hbm>>
      %dma_start3A_351 = tpu.memref_squeeze %dma_start3A_350 : memref<1x32xf32, #tpu.memory_space<hbm>> -> memref<32xf32, #tpu.memory_space<hbm>>
      %dma_start3A_352 = tpu.memref_slice %arg4[%run_scoped3A_320, %mul3A_2] : memref<17x1024xf32, #tpu.memory_space<hbm>> -> memref<1x32xf32, #tpu.memory_space<hbm>>
      %dma_start3A_353 = tpu.memref_squeeze %dma_start3A_352 : memref<1x32xf32, #tpu.memory_space<hbm>> -> memref<32xf32, #tpu.memory_space<hbm>>
      %dma_start3A_354 = arith.constant 96 : i32
      %dma_start3A_355 = tpu.memref_slice %arg7[%run_scoped3A_319, %dma_start3A_354] : memref<4x128xf32, #tpu.memory_space<vmem>> -> memref<1x32xf32, #tpu.memory_space<vmem>>
      %dma_start3A_356 = tpu.memref_squeeze %dma_start3A_355 : memref<1x32xf32, #tpu.memory_space<vmem>> -> memref<32xf32, #tpu.memory_space<vmem>>
      tpu.enqueue_dma source(%dma_start3A_356 : memref<32xf32, #tpu.memory_space<vmem>>) target(%dma_start3A_353 : memref<32xf32, #tpu.memory_space<hbm>>) target_semaphore(%run_scoped3A_346 : memref<!tpu.dma_semaphore, #tpu.memory_space<semaphore_mem>>)
      %dma_wait3A_357 = arith.constant 96 : i32
      %dma_wait3A_358 = tpu.memref_slice %arg7[%run_scoped3A_319, %dma_wait3A_357] : memref<4x128xf32, #tpu.memory_space<vmem>> -> memref<1x32xf32, #tpu.memory_space<vmem>>
      %dma_wait3A_359 = tpu.memref_squeeze %dma_wait3A_358 : memref<1x32xf32, #tpu.memory_space<vmem>> -> memref<32xf32, #tpu.memory_space<vmem>>
      %dma_wait3A_360 = tpu.memref_slice %arg4[%run_scoped3A_320, %mul3A_2] : memref<17x1024xf32, #tpu.memory_space<hbm>> -> memref<1x32xf32, #tpu.memory_space<hbm>>
      %dma_wait3A_361 = tpu.memref_squeeze %dma_wait3A_360 : memref<1x32xf32, #tpu.memory_space<hbm>> -> memref<32xf32, #tpu.memory_space<hbm>>
      %dma_wait3A_362 = tpu.memref_slice %arg4[%run_scoped3A_320, %mul3A_2] : memref<17x1024xf32, #tpu.memory_space<hbm>> -> memref<1x32xf32, #tpu.memory_space<hbm>>
      %dma_wait3A_363 = tpu.memref_squeeze %dma_wait3A_362 : memref<1x32xf32, #tpu.memory_space<hbm>> -> memref<32xf32, #tpu.memory_space<hbm>>
      %dma_wait3A_364 = arith.constant 96 : i32
      %dma_wait3A_365 = tpu.memref_slice %arg7[%run_scoped3A_319, %dma_wait3A_364] : memref<4x128xf32, #tpu.memory_space<vmem>> -> memref<1x32xf32, #tpu.memory_space<vmem>>
      %dma_wait3A_366 = tpu.memref_squeeze %dma_wait3A_365 : memref<1x32xf32, #tpu.memory_space<vmem>> -> memref<32xf32, #tpu.memory_space<vmem>>
      tpu.wait_dma2 semaphore(%run_scoped3A_346 : memref<!tpu.dma_semaphore, #tpu.memory_space<semaphore_mem>>) src(%dma_wait3A_366 : memref<32xf32, #tpu.memory_space<vmem>>) dst(%dma_wait3A_363 : memref<32xf32, #tpu.memory_space<hbm>>)
      tpu.yield
    }) : () -> ()
    %run_scoped3A_321 = arith.constant 1 : i32
    %run_scoped3A_322 = arith.constant 4 : i32
    "tpu.region"() ({
      %run_scoped3A_346 = tpu.sem_alloc : memref<!tpu.dma_semaphore, #tpu.memory_space<semaphore_mem>>
      %dma_start3A_347 = arith.constant 0 : i32
      %dma_start3A_348 = tpu.memref_slice %arg7[%run_scoped3A_321, %dma_start3A_347] : memref<4x128xf32, #tpu.memory_space<vmem>> -> memref<1x32xf32, #tpu.memory_space<vmem>>
      %dma_start3A_349 = tpu.memref_squeeze %dma_start3A_348 : memref<1x32xf32, #tpu.memory_space<vmem>> -> memref<32xf32, #tpu.memory_space<vmem>>
      %dma_start3A_350 = tpu.memref_slice %arg4[%run_scoped3A_322, %mul3A_2] : memref<17x1024xf32, #tpu.memory_space<hbm>> -> memref<1x32xf32, #tpu.memory_space<hbm>>
      %dma_start3A_351 = tpu.memref_squeeze %dma_start3A_350 : memref<1x32xf32, #tpu.memory_space<hbm>> -> memref<32xf32, #tpu.memory_space<hbm>>
      %dma_start3A_352 = tpu.memref_slice %arg4[%run_scoped3A_322, %mul3A_2] : memref<17x1024xf32, #tpu.memory_space<hbm>> -> memref<1x32xf32, #tpu.memory_space<hbm>>
      %dma_start3A_353 = tpu.memref_squeeze %dma_start3A_352 : memref<1x32xf32, #tpu.memory_space<hbm>> -> memref<32xf32, #tpu.memory_space<hbm>>
      %dma_start3A_354 = arith.constant 0 : i32
      %dma_start3A_355 = tpu.memref_slice %arg7[%run_scoped3A_321, %dma_start3A_354] : memref<4x128xf32, #tpu.memory_space<vmem>> -> memref<1x32xf32, #tpu.memory_space<vmem>>
      %dma_start3A_356 = tpu.memref_squeeze %dma_start3A_355 : memref<1x32xf32, #tpu.memory_space<vmem>> -> memref<32xf32, #tpu.memory_space<vmem>>
      tpu.enqueue_dma source(%dma_start3A_356 : memref<32xf32, #tpu.memory_space<vmem>>) target(%dma_start3A_353 : memref<32xf32, #tpu.memory_space<hbm>>) target_semaphore(%run_scoped3A_346 : memref<!tpu.dma_semaphore, #tpu.memory_space<semaphore_mem>>)
      %dma_wait3A_357 = arith.constant 0 : i32
      %dma_wait3A_358 = tpu.memref_slice %arg7[%run_scoped3A_321, %dma_wait3A_357] : memref<4x128xf32, #tpu.memory_space<vmem>> -> memref<1x32xf32, #tpu.memory_space<vmem>>
      %dma_wait3A_359 = tpu.memref_squeeze %dma_wait3A_358 : memref<1x32xf32, #tpu.memory_space<vmem>> -> memref<32xf32, #tpu.memory_space<vmem>>
      %dma_wait3A_360 = tpu.memref_slice %arg4[%run_scoped3A_322, %mul3A_2] : memref<17x1024xf32, #tpu.memory_space<hbm>> -> memref<1x32xf32, #tpu.memory_space<hbm>>
      %dma_wait3A_361 = tpu.memref_squeeze %dma_wait3A_360 : memref<1x32xf32, #tpu.memory_space<hbm>> -> memref<32xf32, #tpu.memory_space<hbm>>
      %dma_wait3A_362 = tpu.memref_slice %arg4[%run_scoped3A_322, %mul3A_2] : memref<17x1024xf32, #tpu.memory_space<hbm>> -> memref<1x32xf32, #tpu.memory_space<hbm>>
      %dma_wait3A_363 = tpu.memref_squeeze %dma_wait3A_362 : memref<1x32xf32, #tpu.memory_space<hbm>> -> memref<32xf32, #tpu.memory_space<hbm>>
      %dma_wait3A_364 = arith.constant 0 : i32
      %dma_wait3A_365 = tpu.memref_slice %arg7[%run_scoped3A_321, %dma_wait3A_364] : memref<4x128xf32, #tpu.memory_space<vmem>> -> memref<1x32xf32, #tpu.memory_space<vmem>>
      %dma_wait3A_366 = tpu.memref_squeeze %dma_wait3A_365 : memref<1x32xf32, #tpu.memory_space<vmem>> -> memref<32xf32, #tpu.memory_space<vmem>>
      tpu.wait_dma2 semaphore(%run_scoped3A_346 : memref<!tpu.dma_semaphore, #tpu.memory_space<semaphore_mem>>) src(%dma_wait3A_366 : memref<32xf32, #tpu.memory_space<vmem>>) dst(%dma_wait3A_363 : memref<32xf32, #tpu.memory_space<hbm>>)
      tpu.yield
    }) : () -> ()
    %run_scoped3A_323 = arith.constant 1 : i32
    %run_scoped3A_324 = arith.constant 5 : i32
    "tpu.region"() ({
      %run_scoped3A_346 = tpu.sem_alloc : memref<!tpu.dma_semaphore, #tpu.memory_space<semaphore_mem>>
      %dma_start3A_347 = arith.constant 32 : i32
      %dma_start3A_348 = tpu.memref_slice %arg7[%run_scoped3A_323, %dma_start3A_347] : memref<4x128xf32, #tpu.memory_space<vmem>> -> memref<1x32xf32, #tpu.memory_space<vmem>>
      %dma_start3A_349 = tpu.memref_squeeze %dma_start3A_348 : memref<1x32xf32, #tpu.memory_space<vmem>> -> memref<32xf32, #tpu.memory_space<vmem>>
      %dma_start3A_350 = tpu.memref_slice %arg4[%run_scoped3A_324, %mul3A_2] : memref<17x1024xf32, #tpu.memory_space<hbm>> -> memref<1x32xf32, #tpu.memory_space<hbm>>
      %dma_start3A_351 = tpu.memref_squeeze %dma_start3A_350 : memref<1x32xf32, #tpu.memory_space<hbm>> -> memref<32xf32, #tpu.memory_space<hbm>>
      %dma_start3A_352 = tpu.memref_slice %arg4[%run_scoped3A_324, %mul3A_2] : memref<17x1024xf32, #tpu.memory_space<hbm>> -> memref<1x32xf32, #tpu.memory_space<hbm>>
      %dma_start3A_353 = tpu.memref_squeeze %dma_start3A_352 : memref<1x32xf32, #tpu.memory_space<hbm>> -> memref<32xf32, #tpu.memory_space<hbm>>
      %dma_start3A_354 = arith.constant 32 : i32
      %dma_start3A_355 = tpu.memref_slice %arg7[%run_scoped3A_323, %dma_start3A_354] : memref<4x128xf32, #tpu.memory_space<vmem>> -> memref<1x32xf32, #tpu.memory_space<vmem>>
      %dma_start3A_356 = tpu.memref_squeeze %dma_start3A_355 : memref<1x32xf32, #tpu.memory_space<vmem>> -> memref<32xf32, #tpu.memory_space<vmem>>
      tpu.enqueue_dma source(%dma_start3A_356 : memref<32xf32, #tpu.memory_space<vmem>>) target(%dma_start3A_353 : memref<32xf32, #tpu.memory_space<hbm>>) target_semaphore(%run_scoped3A_346 : memref<!tpu.dma_semaphore, #tpu.memory_space<semaphore_mem>>)
      %dma_wait3A_357 = arith.constant 32 : i32
      %dma_wait3A_358 = tpu.memref_slice %arg7[%run_scoped3A_323, %dma_wait3A_357] : memref<4x128xf32, #tpu.memory_space<vmem>> -> memref<1x32xf32, #tpu.memory_space<vmem>>
      %dma_wait3A_359 = tpu.memref_squeeze %dma_wait3A_358 : memref<1x32xf32, #tpu.memory_space<vmem>> -> memref<32xf32, #tpu.memory_space<vmem>>
      %dma_wait3A_360 = tpu.memref_slice %arg4[%run_scoped3A_324, %mul3A_2] : memref<17x1024xf32, #tpu.memory_space<hbm>> -> memref<1x32xf32, #tpu.memory_space<hbm>>
      %dma_wait3A_361 = tpu.memref_squeeze %dma_wait3A_360 : memref<1x32xf32, #tpu.memory_space<hbm>> -> memref<32xf32, #tpu.memory_space<hbm>>
      %dma_wait3A_362 = tpu.memref_slice %arg4[%run_scoped3A_324, %mul3A_2] : memref<17x1024xf32, #tpu.memory_space<hbm>> -> memref<1x32xf32, #tpu.memory_space<hbm>>
      %dma_wait3A_363 = tpu.memref_squeeze %dma_wait3A_362 : memref<1x32xf32, #tpu.memory_space<hbm>> -> memref<32xf32, #tpu.memory_space<hbm>>
      %dma_wait3A_364 = arith.constant 32 : i32
      %dma_wait3A_365 = tpu.memref_slice %arg7[%run_scoped3A_323, %dma_wait3A_364] : memref<4x128xf32, #tpu.memory_space<vmem>> -> memref<1x32xf32, #tpu.memory_space<vmem>>
      %dma_wait3A_366 = tpu.memref_squeeze %dma_wait3A_365 : memref<1x32xf32, #tpu.memory_space<vmem>> -> memref<32xf32, #tpu.memory_space<vmem>>
      tpu.wait_dma2 semaphore(%run_scoped3A_346 : memref<!tpu.dma_semaphore, #tpu.memory_space<semaphore_mem>>) src(%dma_wait3A_366 : memref<32xf32, #tpu.memory_space<vmem>>) dst(%dma_wait3A_363 : memref<32xf32, #tpu.memory_space<hbm>>)
      tpu.yield
    }) : () -> ()
    %run_scoped3A_325 = arith.constant 1 : i32
    %run_scoped3A_326 = arith.constant 6 : i32
    "tpu.region"() ({
      %run_scoped3A_346 = tpu.sem_alloc : memref<!tpu.dma_semaphore, #tpu.memory_space<semaphore_mem>>
      %dma_start3A_347 = arith.constant 64 : i32
      %dma_start3A_348 = tpu.memref_slice %arg7[%run_scoped3A_325, %dma_start3A_347] : memref<4x128xf32, #tpu.memory_space<vmem>> -> memref<1x32xf32, #tpu.memory_space<vmem>>
      %dma_start3A_349 = tpu.memref_squeeze %dma_start3A_348 : memref<1x32xf32, #tpu.memory_space<vmem>> -> memref<32xf32, #tpu.memory_space<vmem>>
      %dma_start3A_350 = tpu.memref_slice %arg4[%run_scoped3A_326, %mul3A_2] : memref<17x1024xf32, #tpu.memory_space<hbm>> -> memref<1x32xf32, #tpu.memory_space<hbm>>
      %dma_start3A_351 = tpu.memref_squeeze %dma_start3A_350 : memref<1x32xf32, #tpu.memory_space<hbm>> -> memref<32xf32, #tpu.memory_space<hbm>>
      %dma_start3A_352 = tpu.memref_slice %arg4[%run_scoped3A_326, %mul3A_2] : memref<17x1024xf32, #tpu.memory_space<hbm>> -> memref<1x32xf32, #tpu.memory_space<hbm>>
      %dma_start3A_353 = tpu.memref_squeeze %dma_start3A_352 : memref<1x32xf32, #tpu.memory_space<hbm>> -> memref<32xf32, #tpu.memory_space<hbm>>
      %dma_start3A_354 = arith.constant 64 : i32
      %dma_start3A_355 = tpu.memref_slice %arg7[%run_scoped3A_325, %dma_start3A_354] : memref<4x128xf32, #tpu.memory_space<vmem>> -> memref<1x32xf32, #tpu.memory_space<vmem>>
      %dma_start3A_356 = tpu.memref_squeeze %dma_start3A_355 : memref<1x32xf32, #tpu.memory_space<vmem>> -> memref<32xf32, #tpu.memory_space<vmem>>
      tpu.enqueue_dma source(%dma_start3A_356 : memref<32xf32, #tpu.memory_space<vmem>>) target(%dma_start3A_353 : memref<32xf32, #tpu.memory_space<hbm>>) target_semaphore(%run_scoped3A_346 : memref<!tpu.dma_semaphore, #tpu.memory_space<semaphore_mem>>)
      %dma_wait3A_357 = arith.constant 64 : i32
      %dma_wait3A_358 = tpu.memref_slice %arg7[%run_scoped3A_325, %dma_wait3A_357] : memref<4x128xf32, #tpu.memory_space<vmem>> -> memref<1x32xf32, #tpu.memory_space<vmem>>
      %dma_wait3A_359 = tpu.memref_squeeze %dma_wait3A_358 : memref<1x32xf32, #tpu.memory_space<vmem>> -> memref<32xf32, #tpu.memory_space<vmem>>
      %dma_wait3A_360 = tpu.memref_slice %arg4[%run_scoped3A_326, %mul3A_2] : memref<17x1024xf32, #tpu.memory_space<hbm>> -> memref<1x32xf32, #tpu.memory_space<hbm>>
      %dma_wait3A_361 = tpu.memref_squeeze %dma_wait3A_360 : memref<1x32xf32, #tpu.memory_space<hbm>> -> memref<32xf32, #tpu.memory_space<hbm>>
      %dma_wait3A_362 = tpu.memref_slice %arg4[%run_scoped3A_326, %mul3A_2] : memref<17x1024xf32, #tpu.memory_space<hbm>> -> memref<1x32xf32, #tpu.memory_space<hbm>>
      %dma_wait3A_363 = tpu.memref_squeeze %dma_wait3A_362 : memref<1x32xf32, #tpu.memory_space<hbm>> -> memref<32xf32, #tpu.memory_space<hbm>>
      %dma_wait3A_364 = arith.constant 64 : i32
      %dma_wait3A_365 = tpu.memref_slice %arg7[%run_scoped3A_325, %dma_wait3A_364] : memref<4x128xf32, #tpu.memory_space<vmem>> -> memref<1x32xf32, #tpu.memory_space<vmem>>
      %dma_wait3A_366 = tpu.memref_squeeze %dma_wait3A_365 : memref<1x32xf32, #tpu.memory_space<vmem>> -> memref<32xf32, #tpu.memory_space<vmem>>
      tpu.wait_dma2 semaphore(%run_scoped3A_346 : memref<!tpu.dma_semaphore, #tpu.memory_space<semaphore_mem>>) src(%dma_wait3A_366 : memref<32xf32, #tpu.memory_space<vmem>>) dst(%dma_wait3A_363 : memref<32xf32, #tpu.memory_space<hbm>>)
      tpu.yield
    }) : () -> ()
    %run_scoped3A_327 = arith.constant 1 : i32
    %run_scoped3A_328 = arith.constant 7 : i32
    "tpu.region"() ({
      %run_scoped3A_346 = tpu.sem_alloc : memref<!tpu.dma_semaphore, #tpu.memory_space<semaphore_mem>>
      %dma_start3A_347 = arith.constant 96 : i32
      %dma_start3A_348 = tpu.memref_slice %arg7[%run_scoped3A_327, %dma_start3A_347] : memref<4x128xf32, #tpu.memory_space<vmem>> -> memref<1x32xf32, #tpu.memory_space<vmem>>
      %dma_start3A_349 = tpu.memref_squeeze %dma_start3A_348 : memref<1x32xf32, #tpu.memory_space<vmem>> -> memref<32xf32, #tpu.memory_space<vmem>>
      %dma_start3A_350 = tpu.memref_slice %arg4[%run_scoped3A_328, %mul3A_2] : memref<17x1024xf32, #tpu.memory_space<hbm>> -> memref<1x32xf32, #tpu.memory_space<hbm>>
      %dma_start3A_351 = tpu.memref_squeeze %dma_start3A_350 : memref<1x32xf32, #tpu.memory_space<hbm>> -> memref<32xf32, #tpu.memory_space<hbm>>
      %dma_start3A_352 = tpu.memref_slice %arg4[%run_scoped3A_328, %mul3A_2] : memref<17x1024xf32, #tpu.memory_space<hbm>> -> memref<1x32xf32, #tpu.memory_space<hbm>>
      %dma_start3A_353 = tpu.memref_squeeze %dma_start3A_352 : memref<1x32xf32, #tpu.memory_space<hbm>> -> memref<32xf32, #tpu.memory_space<hbm>>
      %dma_start3A_354 = arith.constant 96 : i32
      %dma_start3A_355 = tpu.memref_slice %arg7[%run_scoped3A_327, %dma_start3A_354] : memref<4x128xf32, #tpu.memory_space<vmem>> -> memref<1x32xf32, #tpu.memory_space<vmem>>
      %dma_start3A_356 = tpu.memref_squeeze %dma_start3A_355 : memref<1x32xf32, #tpu.memory_space<vmem>> -> memref<32xf32, #tpu.memory_space<vmem>>
      tpu.enqueue_dma source(%dma_start3A_356 : memref<32xf32, #tpu.memory_space<vmem>>) target(%dma_start3A_353 : memref<32xf32, #tpu.memory_space<hbm>>) target_semaphore(%run_scoped3A_346 : memref<!tpu.dma_semaphore, #tpu.memory_space<semaphore_mem>>)
      %dma_wait3A_357 = arith.constant 96 : i32
      %dma_wait3A_358 = tpu.memref_slice %arg7[%run_scoped3A_327, %dma_wait3A_357] : memref<4x128xf32, #tpu.memory_space<vmem>> -> memref<1x32xf32, #tpu.memory_space<vmem>>
      %dma_wait3A_359 = tpu.memref_squeeze %dma_wait3A_358 : memref<1x32xf32, #tpu.memory_space<vmem>> -> memref<32xf32, #tpu.memory_space<vmem>>
      %dma_wait3A_360 = tpu.memref_slice %arg4[%run_scoped3A_328, %mul3A_2] : memref<17x1024xf32, #tpu.memory_space<hbm>> -> memref<1x32xf32, #tpu.memory_space<hbm>>
      %dma_wait3A_361 = tpu.memref_squeeze %dma_wait3A_360 : memref<1x32xf32, #tpu.memory_space<hbm>> -> memref<32xf32, #tpu.memory_space<hbm>>
      %dma_wait3A_362 = tpu.memref_slice %arg4[%run_scoped3A_328, %mul3A_2] : memref<17x1024xf32, #tpu.memory_space<hbm>> -> memref<1x32xf32, #tpu.memory_space<hbm>>
      %dma_wait3A_363 = tpu.memref_squeeze %dma_wait3A_362 : memref<1x32xf32, #tpu.memory_space<hbm>> -> memref<32xf32, #tpu.memory_space<hbm>>
      %dma_wait3A_364 = arith.constant 96 : i32
      %dma_wait3A_365 = tpu.memref_slice %arg7[%run_scoped3A_327, %dma_wait3A_364] : memref<4x128xf32, #tpu.memory_space<vmem>> -> memref<1x32xf32, #tpu.memory_space<vmem>>
      %dma_wait3A_366 = tpu.memref_squeeze %dma_wait3A_365 : memref<1x32xf32, #tpu.memory_space<vmem>> -> memref<32xf32, #tpu.memory_space<vmem>>
      tpu.wait_dma2 semaphore(%run_scoped3A_346 : memref<!tpu.dma_semaphore, #tpu.memory_space<semaphore_mem>>) src(%dma_wait3A_366 : memref<32xf32, #tpu.memory_space<vmem>>) dst(%dma_wait3A_363 : memref<32xf32, #tpu.memory_space<hbm>>)
      tpu.yield
    }) : () -> ()
    %run_scoped3A_329 = arith.constant 2 : i32
    %run_scoped3A_330 = arith.constant 8 : i32
    "tpu.region"() ({
      %run_scoped3A_346 = tpu.sem_alloc : memref<!tpu.dma_semaphore, #tpu.memory_space<semaphore_mem>>
      %dma_start3A_347 = arith.constant 0 : i32
      %dma_start3A_348 = tpu.memref_slice %arg7[%run_scoped3A_329, %dma_start3A_347] : memref<4x128xf32, #tpu.memory_space<vmem>> -> memref<1x32xf32, #tpu.memory_space<vmem>>
      %dma_start3A_349 = tpu.memref_squeeze %dma_start3A_348 : memref<1x32xf32, #tpu.memory_space<vmem>> -> memref<32xf32, #tpu.memory_space<vmem>>
      %dma_start3A_350 = tpu.memref_slice %arg4[%run_scoped3A_330, %mul3A_2] : memref<17x1024xf32, #tpu.memory_space<hbm>> -> memref<1x32xf32, #tpu.memory_space<hbm>>
      %dma_start3A_351 = tpu.memref_squeeze %dma_start3A_350 : memref<1x32xf32, #tpu.memory_space<hbm>> -> memref<32xf32, #tpu.memory_space<hbm>>
      %dma_start3A_352 = tpu.memref_slice %arg4[%run_scoped3A_330, %mul3A_2] : memref<17x1024xf32, #tpu.memory_space<hbm>> -> memref<1x32xf32, #tpu.memory_space<hbm>>
      %dma_start3A_353 = tpu.memref_squeeze %dma_start3A_352 : memref<1x32xf32, #tpu.memory_space<hbm>> -> memref<32xf32, #tpu.memory_space<hbm>>
      %dma_start3A_354 = arith.constant 0 : i32
      %dma_start3A_355 = tpu.memref_slice %arg7[%run_scoped3A_329, %dma_start3A_354] : memref<4x128xf32, #tpu.memory_space<vmem>> -> memref<1x32xf32, #tpu.memory_space<vmem>>
      %dma_start3A_356 = tpu.memref_squeeze %dma_start3A_355 : memref<1x32xf32, #tpu.memory_space<vmem>> -> memref<32xf32, #tpu.memory_space<vmem>>
      tpu.enqueue_dma source(%dma_start3A_356 : memref<32xf32, #tpu.memory_space<vmem>>) target(%dma_start3A_353 : memref<32xf32, #tpu.memory_space<hbm>>) target_semaphore(%run_scoped3A_346 : memref<!tpu.dma_semaphore, #tpu.memory_space<semaphore_mem>>)
      %dma_wait3A_357 = arith.constant 0 : i32
      %dma_wait3A_358 = tpu.memref_slice %arg7[%run_scoped3A_329, %dma_wait3A_357] : memref<4x128xf32, #tpu.memory_space<vmem>> -> memref<1x32xf32, #tpu.memory_space<vmem>>
      %dma_wait3A_359 = tpu.memref_squeeze %dma_wait3A_358 : memref<1x32xf32, #tpu.memory_space<vmem>> -> memref<32xf32, #tpu.memory_space<vmem>>
      %dma_wait3A_360 = tpu.memref_slice %arg4[%run_scoped3A_330, %mul3A_2] : memref<17x1024xf32, #tpu.memory_space<hbm>> -> memref<1x32xf32, #tpu.memory_space<hbm>>
      %dma_wait3A_361 = tpu.memref_squeeze %dma_wait3A_360 : memref<1x32xf32, #tpu.memory_space<hbm>> -> memref<32xf32, #tpu.memory_space<hbm>>
      %dma_wait3A_362 = tpu.memref_slice %arg4[%run_scoped3A_330, %mul3A_2] : memref<17x1024xf32, #tpu.memory_space<hbm>> -> memref<1x32xf32, #tpu.memory_space<hbm>>
      %dma_wait3A_363 = tpu.memref_squeeze %dma_wait3A_362 : memref<1x32xf32, #tpu.memory_space<hbm>> -> memref<32xf32, #tpu.memory_space<hbm>>
      %dma_wait3A_364 = arith.constant 0 : i32
      %dma_wait3A_365 = tpu.memref_slice %arg7[%run_scoped3A_329, %dma_wait3A_364] : memref<4x128xf32, #tpu.memory_space<vmem>> -> memref<1x32xf32, #tpu.memory_space<vmem>>
      %dma_wait3A_366 = tpu.memref_squeeze %dma_wait3A_365 : memref<1x32xf32, #tpu.memory_space<vmem>> -> memref<32xf32, #tpu.memory_space<vmem>>
      tpu.wait_dma2 semaphore(%run_scoped3A_346 : memref<!tpu.dma_semaphore, #tpu.memory_space<semaphore_mem>>) src(%dma_wait3A_366 : memref<32xf32, #tpu.memory_space<vmem>>) dst(%dma_wait3A_363 : memref<32xf32, #tpu.memory_space<hbm>>)
      tpu.yield
    }) : () -> ()
    %run_scoped3A_331 = arith.constant 2 : i32
    %run_scoped3A_332 = arith.constant 9 : i32
    "tpu.region"() ({
      %run_scoped3A_346 = tpu.sem_alloc : memref<!tpu.dma_semaphore, #tpu.memory_space<semaphore_mem>>
      %dma_start3A_347 = arith.constant 32 : i32
      %dma_start3A_348 = tpu.memref_slice %arg7[%run_scoped3A_331, %dma_start3A_347] : memref<4x128xf32, #tpu.memory_space<vmem>> -> memref<1x32xf32, #tpu.memory_space<vmem>>
      %dma_start3A_349 = tpu.memref_squeeze %dma_start3A_348 : memref<1x32xf32, #tpu.memory_space<vmem>> -> memref<32xf32, #tpu.memory_space<vmem>>
      %dma_start3A_350 = tpu.memref_slice %arg4[%run_scoped3A_332, %mul3A_2] : memref<17x1024xf32, #tpu.memory_space<hbm>> -> memref<1x32xf32, #tpu.memory_space<hbm>>
      %dma_start3A_351 = tpu.memref_squeeze %dma_start3A_350 : memref<1x32xf32, #tpu.memory_space<hbm>> -> memref<32xf32, #tpu.memory_space<hbm>>
      %dma_start3A_352 = tpu.memref_slice %arg4[%run_scoped3A_332, %mul3A_2] : memref<17x1024xf32, #tpu.memory_space<hbm>> -> memref<1x32xf32, #tpu.memory_space<hbm>>
      %dma_start3A_353 = tpu.memref_squeeze %dma_start3A_352 : memref<1x32xf32, #tpu.memory_space<hbm>> -> memref<32xf32, #tpu.memory_space<hbm>>
      %dma_start3A_354 = arith.constant 32 : i32
      %dma_start3A_355 = tpu.memref_slice %arg7[%run_scoped3A_331, %dma_start3A_354] : memref<4x128xf32, #tpu.memory_space<vmem>> -> memref<1x32xf32, #tpu.memory_space<vmem>>
      %dma_start3A_356 = tpu.memref_squeeze %dma_start3A_355 : memref<1x32xf32, #tpu.memory_space<vmem>> -> memref<32xf32, #tpu.memory_space<vmem>>
      tpu.enqueue_dma source(%dma_start3A_356 : memref<32xf32, #tpu.memory_space<vmem>>) target(%dma_start3A_353 : memref<32xf32, #tpu.memory_space<hbm>>) target_semaphore(%run_scoped3A_346 : memref<!tpu.dma_semaphore, #tpu.memory_space<semaphore_mem>>)
      %dma_wait3A_357 = arith.constant 32 : i32
      %dma_wait3A_358 = tpu.memref_slice %arg7[%run_scoped3A_331, %dma_wait3A_357] : memref<4x128xf32, #tpu.memory_space<vmem>> -> memref<1x32xf32, #tpu.memory_space<vmem>>
      %dma_wait3A_359 = tpu.memref_squeeze %dma_wait3A_358 : memref<1x32xf32, #tpu.memory_space<vmem>> -> memref<32xf32, #tpu.memory_space<vmem>>
      %dma_wait3A_360 = tpu.memref_slice %arg4[%run_scoped3A_332, %mul3A_2] : memref<17x1024xf32, #tpu.memory_space<hbm>> -> memref<1x32xf32, #tpu.memory_space<hbm>>
      %dma_wait3A_361 = tpu.memref_squeeze %dma_wait3A_360 : memref<1x32xf32, #tpu.memory_space<hbm>> -> memref<32xf32, #tpu.memory_space<hbm>>
      %dma_wait3A_362 = tpu.memref_slice %arg4[%run_scoped3A_332, %mul3A_2] : memref<17x1024xf32, #tpu.memory_space<hbm>> -> memref<1x32xf32, #tpu.memory_space<hbm>>
      %dma_wait3A_363 = tpu.memref_squeeze %dma_wait3A_362 : memref<1x32xf32, #tpu.memory_space<hbm>> -> memref<32xf32, #tpu.memory_space<hbm>>
      %dma_wait3A_364 = arith.constant 32 : i32
      %dma_wait3A_365 = tpu.memref_slice %arg7[%run_scoped3A_331, %dma_wait3A_364] : memref<4x128xf32, #tpu.memory_space<vmem>> -> memref<1x32xf32, #tpu.memory_space<vmem>>
      %dma_wait3A_366 = tpu.memref_squeeze %dma_wait3A_365 : memref<1x32xf32, #tpu.memory_space<vmem>> -> memref<32xf32, #tpu.memory_space<vmem>>
      tpu.wait_dma2 semaphore(%run_scoped3A_346 : memref<!tpu.dma_semaphore, #tpu.memory_space<semaphore_mem>>) src(%dma_wait3A_366 : memref<32xf32, #tpu.memory_space<vmem>>) dst(%dma_wait3A_363 : memref<32xf32, #tpu.memory_space<hbm>>)
      tpu.yield
    }) : () -> ()
    %run_scoped3A_333 = arith.constant 2 : i32
    %run_scoped3A_334 = arith.constant 10 : i32
    "tpu.region"() ({
      %run_scoped3A_346 = tpu.sem_alloc : memref<!tpu.dma_semaphore, #tpu.memory_space<semaphore_mem>>
      %dma_start3A_347 = arith.constant 64 : i32
      %dma_start3A_348 = tpu.memref_slice %arg7[%run_scoped3A_333, %dma_start3A_347] : memref<4x128xf32, #tpu.memory_space<vmem>> -> memref<1x32xf32, #tpu.memory_space<vmem>>
      %dma_start3A_349 = tpu.memref_squeeze %dma_start3A_348 : memref<1x32xf32, #tpu.memory_space<vmem>> -> memref<32xf32, #tpu.memory_space<vmem>>
      %dma_start3A_350 = tpu.memref_slice %arg4[%run_scoped3A_334, %mul3A_2] : memref<17x1024xf32, #tpu.memory_space<hbm>> -> memref<1x32xf32, #tpu.memory_space<hbm>>
      %dma_start3A_351 = tpu.memref_squeeze %dma_start3A_350 : memref<1x32xf32, #tpu.memory_space<hbm>> -> memref<32xf32, #tpu.memory_space<hbm>>
      %dma_start3A_352 = tpu.memref_slice %arg4[%run_scoped3A_334, %mul3A_2] : memref<17x1024xf32, #tpu.memory_space<hbm>> -> memref<1x32xf32, #tpu.memory_space<hbm>>
      %dma_start3A_353 = tpu.memref_squeeze %dma_start3A_352 : memref<1x32xf32, #tpu.memory_space<hbm>> -> memref<32xf32, #tpu.memory_space<hbm>>
      %dma_start3A_354 = arith.constant 64 : i32
      %dma_start3A_355 = tpu.memref_slice %arg7[%run_scoped3A_333, %dma_start3A_354] : memref<4x128xf32, #tpu.memory_space<vmem>> -> memref<1x32xf32, #tpu.memory_space<vmem>>
      %dma_start3A_356 = tpu.memref_squeeze %dma_start3A_355 : memref<1x32xf32, #tpu.memory_space<vmem>> -> memref<32xf32, #tpu.memory_space<vmem>>
      tpu.enqueue_dma source(%dma_start3A_356 : memref<32xf32, #tpu.memory_space<vmem>>) target(%dma_start3A_353 : memref<32xf32, #tpu.memory_space<hbm>>) target_semaphore(%run_scoped3A_346 : memref<!tpu.dma_semaphore, #tpu.memory_space<semaphore_mem>>)
      %dma_wait3A_357 = arith.constant 64 : i32
      %dma_wait3A_358 = tpu.memref_slice %arg7[%run_scoped3A_333, %dma_wait3A_357] : memref<4x128xf32, #tpu.memory_space<vmem>> -> memref<1x32xf32, #tpu.memory_space<vmem>>
      %dma_wait3A_359 = tpu.memref_squeeze %dma_wait3A_358 : memref<1x32xf32, #tpu.memory_space<vmem>> -> memref<32xf32, #tpu.memory_space<vmem>>
      %dma_wait3A_360 = tpu.memref_slice %arg4[%run_scoped3A_334, %mul3A_2] : memref<17x1024xf32, #tpu.memory_space<hbm>> -> memref<1x32xf32, #tpu.memory_space<hbm>>
      %dma_wait3A_361 = tpu.memref_squeeze %dma_wait3A_360 : memref<1x32xf32, #tpu.memory_space<hbm>> -> memref<32xf32, #tpu.memory_space<hbm>>
      %dma_wait3A_362 = tpu.memref_slice %arg4[%run_scoped3A_334, %mul3A_2] : memref<17x1024xf32, #tpu.memory_space<hbm>> -> memref<1x32xf32, #tpu.memory_space<hbm>>
      %dma_wait3A_363 = tpu.memref_squeeze %dma_wait3A_362 : memref<1x32xf32, #tpu.memory_space<hbm>> -> memref<32xf32, #tpu.memory_space<hbm>>
      %dma_wait3A_364 = arith.constant 64 : i32
      %dma_wait3A_365 = tpu.memref_slice %arg7[%run_scoped3A_333, %dma_wait3A_364] : memref<4x128xf32, #tpu.memory_space<vmem>> -> memref<1x32xf32, #tpu.memory_space<vmem>>
      %dma_wait3A_366 = tpu.memref_squeeze %dma_wait3A_365 : memref<1x32xf32, #tpu.memory_space<vmem>> -> memref<32xf32, #tpu.memory_space<vmem>>
      tpu.wait_dma2 semaphore(%run_scoped3A_346 : memref<!tpu.dma_semaphore, #tpu.memory_space<semaphore_mem>>) src(%dma_wait3A_366 : memref<32xf32, #tpu.memory_space<vmem>>) dst(%dma_wait3A_363 : memref<32xf32, #tpu.memory_space<hbm>>)
      tpu.yield
    }) : () -> ()
    %run_scoped3A_335 = arith.constant 2 : i32
    %run_scoped3A_336 = arith.constant 11 : i32
    "tpu.region"() ({
      %run_scoped3A_346 = tpu.sem_alloc : memref<!tpu.dma_semaphore, #tpu.memory_space<semaphore_mem>>
      %dma_start3A_347 = arith.constant 96 : i32
      %dma_start3A_348 = tpu.memref_slice %arg7[%run_scoped3A_335, %dma_start3A_347] : memref<4x128xf32, #tpu.memory_space<vmem>> -> memref<1x32xf32, #tpu.memory_space<vmem>>
      %dma_start3A_349 = tpu.memref_squeeze %dma_start3A_348 : memref<1x32xf32, #tpu.memory_space<vmem>> -> memref<32xf32, #tpu.memory_space<vmem>>
      %dma_start3A_350 = tpu.memref_slice %arg4[%run_scoped3A_336, %mul3A_2] : memref<17x1024xf32, #tpu.memory_space<hbm>> -> memref<1x32xf32, #tpu.memory_space<hbm>>
      %dma_start3A_351 = tpu.memref_squeeze %dma_start3A_350 : memref<1x32xf32, #tpu.memory_space<hbm>> -> memref<32xf32, #tpu.memory_space<hbm>>
      %dma_start3A_352 = tpu.memref_slice %arg4[%run_scoped3A_336, %mul3A_2] : memref<17x1024xf32, #tpu.memory_space<hbm>> -> memref<1x32xf32, #tpu.memory_space<hbm>>
      %dma_start3A_353 = tpu.memref_squeeze %dma_start3A_352 : memref<1x32xf32, #tpu.memory_space<hbm>> -> memref<32xf32, #tpu.memory_space<hbm>>
      %dma_start3A_354 = arith.constant 96 : i32
      %dma_start3A_355 = tpu.memref_slice %arg7[%run_scoped3A_335, %dma_start3A_354] : memref<4x128xf32, #tpu.memory_space<vmem>> -> memref<1x32xf32, #tpu.memory_space<vmem>>
      %dma_start3A_356 = tpu.memref_squeeze %dma_start3A_355 : memref<1x32xf32, #tpu.memory_space<vmem>> -> memref<32xf32, #tpu.memory_space<vmem>>
      tpu.enqueue_dma source(%dma_start3A_356 : memref<32xf32, #tpu.memory_space<vmem>>) target(%dma_start3A_353 : memref<32xf32, #tpu.memory_space<hbm>>) target_semaphore(%run_scoped3A_346 : memref<!tpu.dma_semaphore, #tpu.memory_space<semaphore_mem>>)
      %dma_wait3A_357 = arith.constant 96 : i32
      %dma_wait3A_358 = tpu.memref_slice %arg7[%run_scoped3A_335, %dma_wait3A_357] : memref<4x128xf32, #tpu.memory_space<vmem>> -> memref<1x32xf32, #tpu.memory_space<vmem>>
      %dma_wait3A_359 = tpu.memref_squeeze %dma_wait3A_358 : memref<1x32xf32, #tpu.memory_space<vmem>> -> memref<32xf32, #tpu.memory_space<vmem>>
      %dma_wait3A_360 = tpu.memref_slice %arg4[%run_scoped3A_336, %mul3A_2] : memref<17x1024xf32, #tpu.memory_space<hbm>> -> memref<1x32xf32, #tpu.memory_space<hbm>>
      %dma_wait3A_361 = tpu.memref_squeeze %dma_wait3A_360 : memref<1x32xf32, #tpu.memory_space<hbm>> -> memref<32xf32, #tpu.memory_space<hbm>>
      %dma_wait3A_362 = tpu.memref_slice %arg4[%run_scoped3A_336, %mul3A_2] : memref<17x1024xf32, #tpu.memory_space<hbm>> -> memref<1x32xf32, #tpu.memory_space<hbm>>
      %dma_wait3A_363 = tpu.memref_squeeze %dma_wait3A_362 : memref<1x32xf32, #tpu.memory_space<hbm>> -> memref<32xf32, #tpu.memory_space<hbm>>
      %dma_wait3A_364 = arith.constant 96 : i32
      %dma_wait3A_365 = tpu.memref_slice %arg7[%run_scoped3A_335, %dma_wait3A_364] : memref<4x128xf32, #tpu.memory_space<vmem>> -> memref<1x32xf32, #tpu.memory_space<vmem>>
      %dma_wait3A_366 = tpu.memref_squeeze %dma_wait3A_365 : memref<1x32xf32, #tpu.memory_space<vmem>> -> memref<32xf32, #tpu.memory_space<vmem>>
      tpu.wait_dma2 semaphore(%run_scoped3A_346 : memref<!tpu.dma_semaphore, #tpu.memory_space<semaphore_mem>>) src(%dma_wait3A_366 : memref<32xf32, #tpu.memory_space<vmem>>) dst(%dma_wait3A_363 : memref<32xf32, #tpu.memory_space<hbm>>)
      tpu.yield
    }) : () -> ()
    %run_scoped3A_337 = arith.constant 3 : i32
    %run_scoped3A_338 = arith.constant 12 : i32
    "tpu.region"() ({
      %run_scoped3A_346 = tpu.sem_alloc : memref<!tpu.dma_semaphore, #tpu.memory_space<semaphore_mem>>
      %dma_start3A_347 = arith.constant 0 : i32
      %dma_start3A_348 = tpu.memref_slice %arg7[%run_scoped3A_337, %dma_start3A_347] : memref<4x128xf32, #tpu.memory_space<vmem>> -> memref<1x32xf32, #tpu.memory_space<vmem>>
      %dma_start3A_349 = tpu.memref_squeeze %dma_start3A_348 : memref<1x32xf32, #tpu.memory_space<vmem>> -> memref<32xf32, #tpu.memory_space<vmem>>
      %dma_start3A_350 = tpu.memref_slice %arg4[%run_scoped3A_338, %mul3A_2] : memref<17x1024xf32, #tpu.memory_space<hbm>> -> memref<1x32xf32, #tpu.memory_space<hbm>>
      %dma_start3A_351 = tpu.memref_squeeze %dma_start3A_350 : memref<1x32xf32, #tpu.memory_space<hbm>> -> memref<32xf32, #tpu.memory_space<hbm>>
      %dma_start3A_352 = tpu.memref_slice %arg4[%run_scoped3A_338, %mul3A_2] : memref<17x1024xf32, #tpu.memory_space<hbm>> -> memref<1x32xf32, #tpu.memory_space<hbm>>
      %dma_start3A_353 = tpu.memref_squeeze %dma_start3A_352 : memref<1x32xf32, #tpu.memory_space<hbm>> -> memref<32xf32, #tpu.memory_space<hbm>>
      %dma_start3A_354 = arith.constant 0 : i32
      %dma_start3A_355 = tpu.memref_slice %arg7[%run_scoped3A_337, %dma_start3A_354] : memref<4x128xf32, #tpu.memory_space<vmem>> -> memref<1x32xf32, #tpu.memory_space<vmem>>
      %dma_start3A_356 = tpu.memref_squeeze %dma_start3A_355 : memref<1x32xf32, #tpu.memory_space<vmem>> -> memref<32xf32, #tpu.memory_space<vmem>>
      tpu.enqueue_dma source(%dma_start3A_356 : memref<32xf32, #tpu.memory_space<vmem>>) target(%dma_start3A_353 : memref<32xf32, #tpu.memory_space<hbm>>) target_semaphore(%run_scoped3A_346 : memref<!tpu.dma_semaphore, #tpu.memory_space<semaphore_mem>>)
      %dma_wait3A_357 = arith.constant 0 : i32
      %dma_wait3A_358 = tpu.memref_slice %arg7[%run_scoped3A_337, %dma_wait3A_357] : memref<4x128xf32, #tpu.memory_space<vmem>> -> memref<1x32xf32, #tpu.memory_space<vmem>>
      %dma_wait3A_359 = tpu.memref_squeeze %dma_wait3A_358 : memref<1x32xf32, #tpu.memory_space<vmem>> -> memref<32xf32, #tpu.memory_space<vmem>>
      %dma_wait3A_360 = tpu.memref_slice %arg4[%run_scoped3A_338, %mul3A_2] : memref<17x1024xf32, #tpu.memory_space<hbm>> -> memref<1x32xf32, #tpu.memory_space<hbm>>
      %dma_wait3A_361 = tpu.memref_squeeze %dma_wait3A_360 : memref<1x32xf32, #tpu.memory_space<hbm>> -> memref<32xf32, #tpu.memory_space<hbm>>
      %dma_wait3A_362 = tpu.memref_slice %arg4[%run_scoped3A_338, %mul3A_2] : memref<17x1024xf32, #tpu.memory_space<hbm>> -> memref<1x32xf32, #tpu.memory_space<hbm>>
      %dma_wait3A_363 = tpu.memref_squeeze %dma_wait3A_362 : memref<1x32xf32, #tpu.memory_space<hbm>> -> memref<32xf32, #tpu.memory_space<hbm>>
      %dma_wait3A_364 = arith.constant 0 : i32
      %dma_wait3A_365 = tpu.memref_slice %arg7[%run_scoped3A_337, %dma_wait3A_364] : memref<4x128xf32, #tpu.memory_space<vmem>> -> memref<1x32xf32, #tpu.memory_space<vmem>>
      %dma_wait3A_366 = tpu.memref_squeeze %dma_wait3A_365 : memref<1x32xf32, #tpu.memory_space<vmem>> -> memref<32xf32, #tpu.memory_space<vmem>>
      tpu.wait_dma2 semaphore(%run_scoped3A_346 : memref<!tpu.dma_semaphore, #tpu.memory_space<semaphore_mem>>) src(%dma_wait3A_366 : memref<32xf32, #tpu.memory_space<vmem>>) dst(%dma_wait3A_363 : memref<32xf32, #tpu.memory_space<hbm>>)
      tpu.yield
    }) : () -> ()
    %run_scoped3A_339 = arith.constant 3 : i32
    %run_scoped3A_340 = arith.constant 13 : i32
    "tpu.region"() ({
      %run_scoped3A_346 = tpu.sem_alloc : memref<!tpu.dma_semaphore, #tpu.memory_space<semaphore_mem>>
      %dma_start3A_347 = arith.constant 32 : i32
      %dma_start3A_348 = tpu.memref_slice %arg7[%run_scoped3A_339, %dma_start3A_347] : memref<4x128xf32, #tpu.memory_space<vmem>> -> memref<1x32xf32, #tpu.memory_space<vmem>>
      %dma_start3A_349 = tpu.memref_squeeze %dma_start3A_348 : memref<1x32xf32, #tpu.memory_space<vmem>> -> memref<32xf32, #tpu.memory_space<vmem>>
      %dma_start3A_350 = tpu.memref_slice %arg4[%run_scoped3A_340, %mul3A_2] : memref<17x1024xf32, #tpu.memory_space<hbm>> -> memref<1x32xf32, #tpu.memory_space<hbm>>
      %dma_start3A_351 = tpu.memref_squeeze %dma_start3A_350 : memref<1x32xf32, #tpu.memory_space<hbm>> -> memref<32xf32, #tpu.memory_space<hbm>>
      %dma_start3A_352 = tpu.memref_slice %arg4[%run_scoped3A_340, %mul3A_2] : memref<17x1024xf32, #tpu.memory_space<hbm>> -> memref<1x32xf32, #tpu.memory_space<hbm>>
      %dma_start3A_353 = tpu.memref_squeeze %dma_start3A_352 : memref<1x32xf32, #tpu.memory_space<hbm>> -> memref<32xf32, #tpu.memory_space<hbm>>
      %dma_start3A_354 = arith.constant 32 : i32
      %dma_start3A_355 = tpu.memref_slice %arg7[%run_scoped3A_339, %dma_start3A_354] : memref<4x128xf32, #tpu.memory_space<vmem>> -> memref<1x32xf32, #tpu.memory_space<vmem>>
      %dma_start3A_356 = tpu.memref_squeeze %dma_start3A_355 : memref<1x32xf32, #tpu.memory_space<vmem>> -> memref<32xf32, #tpu.memory_space<vmem>>
      tpu.enqueue_dma source(%dma_start3A_356 : memref<32xf32, #tpu.memory_space<vmem>>) target(%dma_start3A_353 : memref<32xf32, #tpu.memory_space<hbm>>) target_semaphore(%run_scoped3A_346 : memref<!tpu.dma_semaphore, #tpu.memory_space<semaphore_mem>>)
      %dma_wait3A_357 = arith.constant 32 : i32
      %dma_wait3A_358 = tpu.memref_slice %arg7[%run_scoped3A_339, %dma_wait3A_357] : memref<4x128xf32, #tpu.memory_space<vmem>> -> memref<1x32xf32, #tpu.memory_space<vmem>>
      %dma_wait3A_359 = tpu.memref_squeeze %dma_wait3A_358 : memref<1x32xf32, #tpu.memory_space<vmem>> -> memref<32xf32, #tpu.memory_space<vmem>>
      %dma_wait3A_360 = tpu.memref_slice %arg4[%run_scoped3A_340, %mul3A_2] : memref<17x1024xf32, #tpu.memory_space<hbm>> -> memref<1x32xf32, #tpu.memory_space<hbm>>
      %dma_wait3A_361 = tpu.memref_squeeze %dma_wait3A_360 : memref<1x32xf32, #tpu.memory_space<hbm>> -> memref<32xf32, #tpu.memory_space<hbm>>
      %dma_wait3A_362 = tpu.memref_slice %arg4[%run_scoped3A_340, %mul3A_2] : memref<17x1024xf32, #tpu.memory_space<hbm>> -> memref<1x32xf32, #tpu.memory_space<hbm>>
      %dma_wait3A_363 = tpu.memref_squeeze %dma_wait3A_362 : memref<1x32xf32, #tpu.memory_space<hbm>> -> memref<32xf32, #tpu.memory_space<hbm>>
      %dma_wait3A_364 = arith.constant 32 : i32
      %dma_wait3A_365 = tpu.memref_slice %arg7[%run_scoped3A_339, %dma_wait3A_364] : memref<4x128xf32, #tpu.memory_space<vmem>> -> memref<1x32xf32, #tpu.memory_space<vmem>>
      %dma_wait3A_366 = tpu.memref_squeeze %dma_wait3A_365 : memref<1x32xf32, #tpu.memory_space<vmem>> -> memref<32xf32, #tpu.memory_space<vmem>>
      tpu.wait_dma2 semaphore(%run_scoped3A_346 : memref<!tpu.dma_semaphore, #tpu.memory_space<semaphore_mem>>) src(%dma_wait3A_366 : memref<32xf32, #tpu.memory_space<vmem>>) dst(%dma_wait3A_363 : memref<32xf32, #tpu.memory_space<hbm>>)
      tpu.yield
    }) : () -> ()
    %run_scoped3A_341 = arith.constant 3 : i32
    %run_scoped3A_342 = arith.constant 14 : i32
    "tpu.region"() ({
      %run_scoped3A_346 = tpu.sem_alloc : memref<!tpu.dma_semaphore, #tpu.memory_space<semaphore_mem>>
      %dma_start3A_347 = arith.constant 64 : i32
      %dma_start3A_348 = tpu.memref_slice %arg7[%run_scoped3A_341, %dma_start3A_347] : memref<4x128xf32, #tpu.memory_space<vmem>> -> memref<1x32xf32, #tpu.memory_space<vmem>>
      %dma_start3A_349 = tpu.memref_squeeze %dma_start3A_348 : memref<1x32xf32, #tpu.memory_space<vmem>> -> memref<32xf32, #tpu.memory_space<vmem>>
      %dma_start3A_350 = tpu.memref_slice %arg4[%run_scoped3A_342, %mul3A_2] : memref<17x1024xf32, #tpu.memory_space<hbm>> -> memref<1x32xf32, #tpu.memory_space<hbm>>
      %dma_start3A_351 = tpu.memref_squeeze %dma_start3A_350 : memref<1x32xf32, #tpu.memory_space<hbm>> -> memref<32xf32, #tpu.memory_space<hbm>>
      %dma_start3A_352 = tpu.memref_slice %arg4[%run_scoped3A_342, %mul3A_2] : memref<17x1024xf32, #tpu.memory_space<hbm>> -> memref<1x32xf32, #tpu.memory_space<hbm>>
      %dma_start3A_353 = tpu.memref_squeeze %dma_start3A_352 : memref<1x32xf32, #tpu.memory_space<hbm>> -> memref<32xf32, #tpu.memory_space<hbm>>
      %dma_start3A_354 = arith.constant 64 : i32
      %dma_start3A_355 = tpu.memref_slice %arg7[%run_scoped3A_341, %dma_start3A_354] : memref<4x128xf32, #tpu.memory_space<vmem>> -> memref<1x32xf32, #tpu.memory_space<vmem>>
      %dma_start3A_356 = tpu.memref_squeeze %dma_start3A_355 : memref<1x32xf32, #tpu.memory_space<vmem>> -> memref<32xf32, #tpu.memory_space<vmem>>
      tpu.enqueue_dma source(%dma_start3A_356 : memref<32xf32, #tpu.memory_space<vmem>>) target(%dma_start3A_353 : memref<32xf32, #tpu.memory_space<hbm>>) target_semaphore(%run_scoped3A_346 : memref<!tpu.dma_semaphore, #tpu.memory_space<semaphore_mem>>)
      %dma_wait3A_357 = arith.constant 64 : i32
      %dma_wait3A_358 = tpu.memref_slice %arg7[%run_scoped3A_341, %dma_wait3A_357] : memref<4x128xf32, #tpu.memory_space<vmem>> -> memref<1x32xf32, #tpu.memory_space<vmem>>
      %dma_wait3A_359 = tpu.memref_squeeze %dma_wait3A_358 : memref<1x32xf32, #tpu.memory_space<vmem>> -> memref<32xf32, #tpu.memory_space<vmem>>
      %dma_wait3A_360 = tpu.memref_slice %arg4[%run_scoped3A_342, %mul3A_2] : memref<17x1024xf32, #tpu.memory_space<hbm>> -> memref<1x32xf32, #tpu.memory_space<hbm>>
      %dma_wait3A_361 = tpu.memref_squeeze %dma_wait3A_360 : memref<1x32xf32, #tpu.memory_space<hbm>> -> memref<32xf32, #tpu.memory_space<hbm>>
      %dma_wait3A_362 = tpu.memref_slice %arg4[%run_scoped3A_342, %mul3A_2] : memref<17x1024xf32, #tpu.memory_space<hbm>> -> memref<1x32xf32, #tpu.memory_space<hbm>>
      %dma_wait3A_363 = tpu.memref_squeeze %dma_wait3A_362 : memref<1x32xf32, #tpu.memory_space<hbm>> -> memref<32xf32, #tpu.memory_space<hbm>>
      %dma_wait3A_364 = arith.constant 64 : i32
      %dma_wait3A_365 = tpu.memref_slice %arg7[%run_scoped3A_341, %dma_wait3A_364] : memref<4x128xf32, #tpu.memory_space<vmem>> -> memref<1x32xf32, #tpu.memory_space<vmem>>
      %dma_wait3A_366 = tpu.memref_squeeze %dma_wait3A_365 : memref<1x32xf32, #tpu.memory_space<vmem>> -> memref<32xf32, #tpu.memory_space<vmem>>
      tpu.wait_dma2 semaphore(%run_scoped3A_346 : memref<!tpu.dma_semaphore, #tpu.memory_space<semaphore_mem>>) src(%dma_wait3A_366 : memref<32xf32, #tpu.memory_space<vmem>>) dst(%dma_wait3A_363 : memref<32xf32, #tpu.memory_space<hbm>>)
      tpu.yield
    }) : () -> ()
    %run_scoped3A_343 = arith.constant 3 : i32
    %run_scoped3A_344 = arith.constant 15 : i32
    "tpu.region"() ({
      %run_scoped3A_346 = tpu.sem_alloc : memref<!tpu.dma_semaphore, #tpu.memory_space<semaphore_mem>>
      %dma_start3A_347 = arith.constant 96 : i32
      %dma_start3A_348 = tpu.memref_slice %arg7[%run_scoped3A_343, %dma_start3A_347] : memref<4x128xf32, #tpu.memory_space<vmem>> -> memref<1x32xf32, #tpu.memory_space<vmem>>
      %dma_start3A_349 = tpu.memref_squeeze %dma_start3A_348 : memref<1x32xf32, #tpu.memory_space<vmem>> -> memref<32xf32, #tpu.memory_space<vmem>>
      %dma_start3A_350 = tpu.memref_slice %arg4[%run_scoped3A_344, %mul3A_2] : memref<17x1024xf32, #tpu.memory_space<hbm>> -> memref<1x32xf32, #tpu.memory_space<hbm>>
      %dma_start3A_351 = tpu.memref_squeeze %dma_start3A_350 : memref<1x32xf32, #tpu.memory_space<hbm>> -> memref<32xf32, #tpu.memory_space<hbm>>
      %dma_start3A_352 = tpu.memref_slice %arg4[%run_scoped3A_344, %mul3A_2] : memref<17x1024xf32, #tpu.memory_space<hbm>> -> memref<1x32xf32, #tpu.memory_space<hbm>>
      %dma_start3A_353 = tpu.memref_squeeze %dma_start3A_352 : memref<1x32xf32, #tpu.memory_space<hbm>> -> memref<32xf32, #tpu.memory_space<hbm>>
      %dma_start3A_354 = arith.constant 96 : i32
      %dma_start3A_355 = tpu.memref_slice %arg7[%run_scoped3A_343, %dma_start3A_354] : memref<4x128xf32, #tpu.memory_space<vmem>> -> memref<1x32xf32, #tpu.memory_space<vmem>>
      %dma_start3A_356 = tpu.memref_squeeze %dma_start3A_355 : memref<1x32xf32, #tpu.memory_space<vmem>> -> memref<32xf32, #tpu.memory_space<vmem>>
      tpu.enqueue_dma source(%dma_start3A_356 : memref<32xf32, #tpu.memory_space<vmem>>) target(%dma_start3A_353 : memref<32xf32, #tpu.memory_space<hbm>>) target_semaphore(%run_scoped3A_346 : memref<!tpu.dma_semaphore, #tpu.memory_space<semaphore_mem>>)
      %dma_wait3A_357 = arith.constant 96 : i32
      %dma_wait3A_358 = tpu.memref_slice %arg7[%run_scoped3A_343, %dma_wait3A_357] : memref<4x128xf32, #tpu.memory_space<vmem>> -> memref<1x32xf32, #tpu.memory_space<vmem>>
      %dma_wait3A_359 = tpu.memref_squeeze %dma_wait3A_358 : memref<1x32xf32, #tpu.memory_space<vmem>> -> memref<32xf32, #tpu.memory_space<vmem>>
      %dma_wait3A_360 = tpu.memref_slice %arg4[%run_scoped3A_344, %mul3A_2] : memref<17x1024xf32, #tpu.memory_space<hbm>> -> memref<1x32xf32, #tpu.memory_space<hbm>>
      %dma_wait3A_361 = tpu.memref_squeeze %dma_wait3A_360 : memref<1x32xf32, #tpu.memory_space<hbm>> -> memref<32xf32, #tpu.memory_space<hbm>>
      %dma_wait3A_362 = tpu.memref_slice %arg4[%run_scoped3A_344, %mul3A_2] : memref<17x1024xf32, #tpu.memory_space<hbm>> -> memref<1x32xf32, #tpu.memory_space<hbm>>
      %dma_wait3A_363 = tpu.memref_squeeze %dma_wait3A_362 : memref<1x32xf32, #tpu.memory_space<hbm>> -> memref<32xf32, #tpu.memory_space<hbm>>
      %dma_wait3A_364 = arith.constant 96 : i32
      %dma_wait3A_365 = tpu.memref_slice %arg7[%run_scoped3A_343, %dma_wait3A_364] : memref<4x128xf32, #tpu.memory_space<vmem>> -> memref<1x32xf32, #tpu.memory_space<vmem>>
      %dma_wait3A_366 = tpu.memref_squeeze %dma_wait3A_365 : memref<1x32xf32, #tpu.memory_space<vmem>> -> memref<32xf32, #tpu.memory_space<vmem>>
      tpu.wait_dma2 semaphore(%run_scoped3A_346 : memref<!tpu.dma_semaphore, #tpu.memory_space<semaphore_mem>>) src(%dma_wait3A_366 : memref<32xf32, #tpu.memory_space<vmem>>) dst(%dma_wait3A_363 : memref<32xf32, #tpu.memory_space<hbm>>)
      tpu.yield
    }) : () -> ()
    %run_scoped3A_345 = arith.constant 16 : i32
    "tpu.region"() ({
      %run_scoped3A_346 = tpu.sem_alloc : memref<!tpu.dma_semaphore, #tpu.memory_space<semaphore_mem>>
      %dma_start3A_347 = tpu.memref_slice %arg4[%run_scoped3A_345, %mul3A_2] : memref<17x1024xf32, #tpu.memory_space<hbm>> -> memref<1x32xf32, #tpu.memory_space<hbm>>
      %dma_start3A_348 = tpu.memref_squeeze %dma_start3A_347 : memref<1x32xf32, #tpu.memory_space<hbm>> -> memref<32xf32, #tpu.memory_space<hbm>>
      %dma_start3A_349 = tpu.memref_slice %arg4[%run_scoped3A_345, %mul3A_2] : memref<17x1024xf32, #tpu.memory_space<hbm>> -> memref<1x32xf32, #tpu.memory_space<hbm>>
      %dma_start3A_350 = tpu.memref_squeeze %dma_start3A_349 : memref<1x32xf32, #tpu.memory_space<hbm>> -> memref<32xf32, #tpu.memory_space<hbm>>
      tpu.enqueue_dma source(%arg8 : memref<32xf32, #tpu.memory_space<vmem>>) target(%dma_start3A_350 : memref<32xf32, #tpu.memory_space<hbm>>) target_semaphore(%run_scoped3A_346 : memref<!tpu.dma_semaphore, #tpu.memory_space<semaphore_mem>>)
      %dma_wait3A_351 = tpu.memref_slice %arg4[%run_scoped3A_345, %mul3A_2] : memref<17x1024xf32, #tpu.memory_space<hbm>> -> memref<1x32xf32, #tpu.memory_space<hbm>>
      %dma_wait3A_352 = tpu.memref_squeeze %dma_wait3A_351 : memref<1x32xf32, #tpu.memory_space<hbm>> -> memref<32xf32, #tpu.memory_space<hbm>>
      %dma_wait3A_353 = tpu.memref_slice %arg4[%run_scoped3A_345, %mul3A_2] : memref<17x1024xf32, #tpu.memory_space<hbm>> -> memref<1x32xf32, #tpu.memory_space<hbm>>
      %dma_wait3A_354 = tpu.memref_squeeze %dma_wait3A_353 : memref<1x32xf32, #tpu.memory_space<hbm>> -> memref<32xf32, #tpu.memory_space<hbm>>
      tpu.wait_dma2 semaphore(%run_scoped3A_346 : memref<!tpu.dma_semaphore, #tpu.memory_space<semaphore_mem>>) src(%arg8 : memref<32xf32, #tpu.memory_space<vmem>>) dst(%dma_wait3A_354 : memref<32xf32, #tpu.memory_space<hbm>>)
      tpu.yield
    }) : () -> ()
    return
  }
}

module attributes {stable_mosaic.version = 14 : i64} {
  func.func @_mm_body(%arg0: i32, %arg1: memref<17x3072xf32, #tpu.memory_space<vmem>>, %arg2: memref<17x1024xf32, #tpu.memory_space<vmem>>, %arg3: memref<3072x1024xf32, #tpu.memory_space<vmem>>) attributes {dimension_semantics = [#tpu.dimension_semantics<arbitrary>], iteration_bounds = array<i64: 33>, scalar_prefetch = 0 : i64, scratch_operands = 0 : i64, tpu.core_type = #tpu.core_type<tc>, window_params = [{transform_indices = @transform_0, window_bounds = array<i64: 17, 3072>}, {pipeline_mode = #tpu.pipeline_mode<synchronous>, transform_indices = @transform_1, window_bounds = array<i64: 17, 1024>}, {transform_indices = @transform_2, window_bounds = array<i64: 3072, 1024>}]} {
    %get3A = arith.constant 0 : index
    %get3A_0 = arith.constant 0 : index
    %get3A_1 = vector.load %arg1[%get3A, %get3A_0] : memref<17x3072xf32, #tpu.memory_space<vmem>>, vector<17x3072xf32>
    %get3A_2 = arith.constant 0 : index
    %get3A_3 = arith.constant 0 : index
    %get3A_4 = vector.load %arg2[%get3A_2, %get3A_3] : memref<17x1024xf32, #tpu.memory_space<vmem>>, vector<17x1024xf32>
    %dot_general3A = arith.constant dense<0.000000e+00> : vector<3072x1024xf32>
    %dot_general3A_5 = tpu.matmul %get3A_1, %get3A_4, %dot_general3A {dimension_numbers = #tpu.dot_dimension_numbers<[0], [0], [1], [1], [0, 1, 1, 1], [], []>, transpose_lhs_hint = false} : vector<17x3072xf32>, vector<17x1024xf32>, vector<3072x1024xf32> -> vector<3072x1024xf32>
    %swap3A = arith.constant 0 : index
    %swap3A_6 = arith.constant 0 : index
    %swap3A_7 = vector.load %arg3[%swap3A, %swap3A_6] : memref<3072x1024xf32, #tpu.memory_space<vmem>>, vector<3072x1024xf32>
    tpu.vector_store %arg3[%swap3A, %swap3A_6], %dot_general3A_5 {strides = array<i32>} : memref<3072x1024xf32, #tpu.memory_space<vmem>>, vector<3072x1024xf32>,
    return
  }
  func.func @transform_0(%arg0: i32) -> (i32, i32) {
    %c0_i32 = arith.constant 0 : i32
    %c0_i32_0 = arith.constant 0 : i32
    return %c0_i32, %arg0 : i32, i32
  }
  func.func @transform_1(%arg0: i32) -> (i32, i32) {
    %c0_i32 = arith.constant 0 : i32
    %c0_i32_0 = arith.constant 0 : i32
    %c0_i32_1 = arith.constant 0 : i32
    return %c0_i32, %c0_i32_0 : i32, i32
  }
  func.func @transform_2(%arg0: i32) -> (i32, i32) {
    %c0_i32 = arith.constant 0 : i32
    %c0_i32_0 = arith.constant 0 : i32
    return %arg0, %c0_i32 : i32, i32
  }
}

</mosaic_0001>

<sc_bundles>
// kernel: kernel.4.cloned.1.call-start
scs
__scs_entry_jumppad:
0x0: {  	(pc) =	sbr.rel $0x88, $3  }
0x1: {  	(tag) =	ssettag $0x0;
	lr =	simm.s32 $0x1  }
0x2: {  	[smem:$0x3F9D] =	sst lr;
	_ =	strace $0xD0000000  }
0x3: {  	_ = 	snop  }
0x4: {  	_ = 	snop  }
0x5: {  	_ = 	snop  }
0x6: {  	_ = 	snop  }
0x7: {  	_ = 	snop  }
__scs_overlays_trampoline_lowered:
0x8: {  	[smem:$0x3FAC] =	sst s0  }
0x9: {  	[smem:$0x3FAD] =	sst s1  }
0xa: {  	[smem:$0x3FAE] =	sst s2  }
0xb: {  	[smem:$0x3FAF] =	sst s3  }
0xc: {  	[smem:$0x3FB0] =	sst s4  }
0xd: {  	[smem:$0x3FB1] =	sst s5  }
0xe: {  	[smem:$0x3FB2] =	sst s6  }
0xf: {  	[smem:$0x3FB3] =	sst s7  }
0x10: {  	[smem:$0x3FB4] =	sst s8  }
0x11: {  	[smem:$0x3FB5] =	sst s9;
	s0 =	simm.s32 @!p0 $0x0  }
0x12: {  	s1 =	sld [smem:$0x3F9B];
	s0 =	simm.s32 @p0 $0x1  }
0x13: {  	[smem:$0x3FB6] =	sst s0;
	s0 =	simm.s32 @!p1 $0x0  }
0x14: {  	s2 =	sld [smem:$0x3F9A];
	s0 =	simm.s32 @p1 $0x1  }
0x15: {  	[smem:$0x3FB7] =	sst s0;
	s0 =	simm.s32 @!p2 $0x0  }
0x16: {  	s3 =	sld [smem:$0x3FDB];
	s0 =	simm.s32 @p2 $0x1  }
0x17: {  	s4 =	simm.s32 $0x1BF5;
	[smem:$0x3FB9] =	sst s0  }
0x18: {  	s0 =	sld [smem:$0x3F9C];
	_ =	swait.ge [sflag:s4], $0x0  }
0x19: {  	s7 =	sld [smem:$0x3F9D]  }
0x1a: {  	s8 =	sadd.s32 $0xFFFFE003, lr  }
0x1b: {  	s9 =	sadd.s32 $0xFFFFFEF7, lr;
	s5 =	simm.s32 $0xFFFFFFFF;
	p2 =	slt.u32 s8, $0xFFFFF086  }
0x1c: {  	p1 =	slt.u32 s9, $0xF7A;
	s5 =	simm.s32 @!p2 $0x0  }
0x1d: {  	s5 =	simm.s32 @p1 $0x1;
	p0 =	seq.s32 s7, s2  }
0x1e: {  	s7 =	smul.u32 @!p0 $0xF7A, s2;
	p2 =	seq.s32 @!p0 s5, $0x0  }
0x1f: {  	s9 =	smul.u32 $0xF7A, s1;
	s8 =	simm.s32 @!p0 $0x1BF5;
	p2 =	por !p2, p0  }
0x20: {  	[sflag:s8] =	ssyncset.s32 @!p0 $0xFFFFF086;
	s6 =	sadd.s32 @!p0 s3, s7;
	s7 =	simm.s32 @!p0 $0x108  }
0x21: {  	s3 =	sadd.s32 s3, s9;
	s6 =	sadd.s32 @!p0 $0x88, s6;
	s7 =	simm.s32 @p2 $0x1082  }
0x22: {  	[simem:s7], [sflag:s8] =	dma.local @!p0 [hbm:s6], $0xF7A  }
0x23: {  	s9 =	sor.u32 $0xD0000000, s2;
	s6 =	simm.s32 $0x108;
	_ =	swait.ge @!p0 [sflag:s8], $0x0  }
0x24: {  	s3 =	sadd.s32 $0x88, s3;
	s6 =	simm.s32 @!p1 $0x1082;
	[sflag:s4] =	ssyncset.s32 $0xFFFFF086  }
0x25: {  	[simem:s6], [sflag:s4] =	dma.local [hbm:s3], $0xF7A  }
0x26: {  	[smem:$0x3F9D] =	sst s1;
	(tag) =	ssettag s2;
	_ =	strace s9  }
0x27: {  	s1 =	sld [smem:$0x3FAD]  }
0x28: {  	s2 =	sld [smem:$0x3FAE]  }
0x29: {  	s4 =	sld [smem:$0x3FB0]  }
0x2a: {  	p0 =	seq.s32 s5, $0x0;
	s5 =	sld [smem:$0x3FB1]  }
0x2b: {  	s6 =	sld [smem:$0x3FB2]  }
0x2c: {  	s7 =	sld [smem:$0x3FB3]  }
0x2d: {  	s3 =	simm.s32 $0x108;
	s8 =	sld [smem:$0x3FB4]  }
0x2e: {  	s3 =	simm.s32 @!p0 $0x1082;
	s9 =	sld [smem:$0x3FB5]  }
0x2f: {  	lr =	sadd.s32 s0, s3;
	s0 =	sld [smem:$0x3FAC]  }
0x30: {  	s3 =	sld [smem:$0x3FAF]  }
0x31: {  	[smem:$0x3FB8] =	sst s10  }
0x32: {  	s10 =	sld [smem:$0x3FB6];
	_ =	sdelay $0x3  }
0x33: {  	p0 =	seq.s32 s10, $0x1;
	s10 =	sld [smem:$0x3FB8];
	_ =	sdelay $0x3  }
0x34: {  	[smem:$0x3FB8] =	sst s10  }
0x35: {  	s10 =	sld [smem:$0x3FB7];
	_ =	sdelay $0x3  }
0x36: {  	p1 =	seq.s32 s10, $0x1;
	s10 =	sld [smem:$0x3FB8];
	_ =	sdelay $0x3  }
0x37: {  	[smem:$0x3FB8] =	sst s10  }
0x38: {  	s10 =	sld [smem:$0x3FB9]  }
0x39: {  	_ = 	snop;
	(pc) =	sbr.ind lr, $3  }
0x3a: {  	_ = 	snop  }
0x3b: {  	_ = 	snop  }
0x3c: {  	p2 =	seq.s32 s10, $0x1;
	s10 =	sld [smem:$0x3FB8]  }
0x3d: {  	_ =	shalt  }
0x3e: {  	_ =	shalt  }
0x3f: {  	_ =	shalt  }
0x40: {  	_ =	shalt  }
0x41: {  	_ =	shalt  }
0x42: {  	_ =	shalt  }
0x43: {  	_ =	shalt  }
0x44: {  	_ =	shalt  }
0x45: {  	_ =	shalt  }
0x46: {  	_ =	shalt  }
0x47: {  	_ =	shalt  }
0x48: {  	_ =	shalt  }
0x49: {  	_ =	shalt  }
0x4a: {  	_ =	shalt  }
0x4b: {  	_ =	shalt  }
0x4c: {  	_ =	shalt  }
0x4d: {  	_ =	shalt  }
0x4e: {  	_ =	shalt  }
0x4f: {  	_ =	shalt  }
0x50: {  	_ =	shalt  }
0x51: {  	_ =	shalt  }
0x52: {  	_ =	shalt  }
0x53: {  	_ =	shalt  }
0x54: {  	_ =	shalt  }
0x55: {  	_ =	shalt  }
0x56: {  	_ =	shalt  }
0x57: {  	_ =	shalt  }
0x58: {  	_ =	shalt  }
0x59: {  	_ =	shalt  }
0x5a: {  	_ =	shalt  }
0x5b: {  	_ =	shalt  }
0x5c: {  	_ =	shalt  }
0x5d: {  	_ =	shalt  }
0x5e: {  	_ =	shalt  }
0x5f: {  	_ =	shalt  }
0x60: {  	_ =	shalt  }
0x61: {  	_ =	shalt  }
0x62: {  	_ =	shalt  }
0x63: {  	_ =	shalt  }
0x64: {  	_ =	shalt  }
0x65: {  	_ =	shalt  }
0x66: {  	_ =	shalt  }
0x67: {  	_ =	shalt  }
0x68: {  	_ =	shalt  }
0x69: {  	_ =	shalt  }
0x6a: {  	_ =	shalt  }
0x6b: {  	_ =	shalt  }
0x6c: {  	_ =	shalt  }
0x6d: {  	_ =	shalt  }
0x6e: {  	_ =	shalt  }
0x6f: {  	_ =	shalt  }
0x70: {  	_ =	shalt  }
0x71: {  	_ =	shalt  }
0x72: {  	_ =	shalt  }
0x73: {  	_ =	shalt  }
0x74: {  	_ =	shalt  }
0x75: {  	_ =	shalt  }
0x76: {  	_ =	shalt  }
0x77: {  	_ =	shalt  }
0x78: {  	_ =	shalt  }
0x79: {  	_ =	shalt  }
0x7a: {  	_ =	shalt  }
0x7b: {  	_ =	shalt  }
0x7c: {  	_ =	shalt  }
0x7d: {  	_ =	shalt  }
0x7e: {  	_ =	shalt  }
0x7f: {  	_ =	shalt  }
0x80: {  	_ =	shalt  }
0x81: {  	_ =	shalt  }
0x82: {  	_ =	shalt  }
0x83: {  	_ =	shalt  }
0x84: {  	_ =	shalt  }
0x85: {  	_ =	shalt  }
0x86: {  	_ =	shalt  }
0x87: {  	_ =	shalt  }
.Lfunc_end0:
.L_simem_size_0:
called_computation_lowered:
.L_overlay_start_0:
0x88: {  	s2 =	sld [smem:$0x3FD9]  }
0x89: {  	s3 =	sld [smem:$0x3FFE];
	_ =	sdelay $0x1  }
0x8a: {  	s1 =	srdreg.scid  }
0x8b: {  	s0 =	sand.u32 $0x1, s1  }
0x8c: {  	s17 =	sshll.u32 s0, $0xA;
	s2 =	sadd.s32 s3, s2  }
0x8d: {  	s2 =	sadd.s32 s2, s17  }
0x8e: {  	[smem:$0x3FC4] =	sst s2  }
0x8f: {  	_ = 	snop  }
0x90: {  	s2 =	sld [smem:$0x3FC9]  }
0x91: {  	s18 =	sld [smem:$0x3FD0];
	(tm) =	ssettm $0x1  }
0x92: {  	s4 =	sld [smem:$0x3FFB];
	_ =	sdelay $0x3  }
0x93: {  	_ =	strace s4  }
0x94: {  	s4 =	sld [smem:$0x3FFC];
	_ =	sdelay $0x3  }
0x95: {  	_ =	strace s4  }
0x96: {  	s4 =	sld [smem:$0x3FFD];
	_ =	sdelay $0x3  }
0x97: {  	_ =	strace s4  }
0x98: {  	_ =	strace $0x8FFFFFFF  }
0x99: {  	s19 =	sld [smem:$0x3FDB];
	_ =	sdelay $0x1  }
0x9a: {  	s5 =	simm.s32 $_scs_section_size  }
0x9b: {  	s6 =	simm.s32 $_size__tile_overlayer_lowered;
	s7 =	simm.s32 $_tile_overlayer_lowered  }
0x9c: {  	s22 =	simm.s32 $0x1BFF;
	s21 =	sshll.u32 s7, $0x1;
	s4 =	sadd.s32 s5, s19  }
0x9d: {  	s8 =	simm.s32 $0x0;
	s20 =	sshll.u32 s6, $0x1;
	s6 =	sadd.s32 s21, s4  }
0x9e: {  	[timem:s8], [sflag:s22] =	dma.local [hbm:s6], s20  }
0x9f: {  	_ =	swait.ge [sflag:s22], s20  }
0xa0: {  	s5 =	ssub.s32 $0x0, s20;
	[sflag:s22] =	ssyncset.done $0x0  }
0xa1: {  	[sflag:s22] =	ssyncadd.s32 s5;
	_ =	sdelay $0x1  }
0xa2: {  	s23 =	simm.s32 $0x1B8B  }
0xa3: {  	_ =	swait.ge [sflag:s23], $0x1  }
0xa4: {  	[sflag:s23] =	ssyncset.done $0x0  }
0xa5: {  	s25 =	simm.s32 $0x1B8E;
	s24 =	sld [smem:$0x3FFE];
	[sflag:s23] =	ssyncadd.s32 $0xFFFFFFFF  }
0xa6: {  	s26 =	simm.s32 $execute0_lowered;
	[smem:$0x3FD2] =	sst s25  }
0xa7: {  	s6 =	sshll.u32 s26, $0x1;
	_ =	strace $0x80000046;
	[dreg:$0x1] =	wrdreg $0xFFFFFFFF  }
0xa8: {  	s28 =	simm.s32 $_size_execute0_lowered;
	s4 =	sadd.s32 s4, s6;
	[dreg:$0x0] =	wrdreg $0x0  }
0xa9: {  	s6 =	sshll.u32 s28, $0x1;
	[dreg:$0x2] =	wrdreg s4  }
0xaa: {  	[dreg:$0x3] =	wrdreg s6  }
0xab: {  	[dreg:$0x4] =	wrdreg $0xC0  }
0xac: {  	_ =	task [dreg:s8], $0x5FFFF  }
0xad: {  	[dreg:$0x1] =	wrdreg $0xFFFFFFFF  }
0xae: {  	[dreg:$0x0] =	wrdreg $0x60  }
0xaf: {  	[dreg:$0x2] =	wrdreg s18  }
0xb0: {  	[dreg:$0x3] =	wrdreg s2  }
0xb1: {  	[dreg:$0x4] =	wrdreg s24  }
0xb2: {  	[dreg:$0x5] =	wrdreg $0x9  }
0xb3: {  	_ =	task.clear_ibuf [dreg:s8], $0x6FFFF;
	_ =	strace $0x90000046  }
0xb4: {  	s29 =	simm.s32 $0x9;
	_ =	strace $0x80000048  }
0xb5: {  	_ =	swait.ge [sflag:s29], $0x1  }
0xb6: {  	[sflag:s29] =	ssyncadd.s32 $0xFFFFFFFF  }
0xb7: {  	_ =	strace $0x90000048  }
0xb8: {  	_ =	sfence  }
0xb9: {  	s30 =	sld [smem:$0x0];
	_ =	sdelay $0x2  }
0xba: {  	s31 =	sshll.u32 s1, $0xD;
	s1 =	sshrl.u32 s1, $0x2  }
0xbb: {  	s3 =	sand.u32 $0x4000, s31;
	s1 =	sadd.s32 s1, s30  }
0xbc: {  	s0 =	sor.u32 s3, s0;
	s1 =	sshll.u32 s1, $0x11  }
0xbd: {  	s0 =	sor.u32 s1, s0  }
0xbe: {  	s0 =	sadd.s32 $0x8F2B, s0  }
0xbf: {  	[sflag:s0] =	ssyncadd.remote.s32 $0x1  }
0xc0: {  	_ =	sfence.sel $0xFFFF  }
0xc1: {  	[dreg:$0x0] =	wrdreg $0xFFFFFFFF;
	(pc) =	sbr.abs _section_cstart, $3  }
0xc2: {  	[dreg:$0x1] =	wrdreg $0xFFFFFFFF  }
0xc3: {  	_ =	task.clear_ibuf [dreg:s8], $0x2FFFF;
	_ =	strace $0x9FFFFFFF  }
0xc4: {  	(tm) =	ssettm $0x7FFFFFFF  }
0xc5: {  	_ =	shalt  }
tec
execute0_lowered:
.L_overlay_start_1:
0x0: {  	(tag) =	ssettag $0x1  }
0x1: {  	s2 =	srdreg.scid  }
0x2: {  	s3 =	rddreg [dreg:$0x0];
	s4 =	stileid.u32;
	s19 =	sand.u32 $0x1, s2  }
0x3: {  	s1 =	rddreg [dreg:$0x1];
	s4 =	sshll.u32 s4, $0x3;
	s5 =	sshll.u32 s19, $0x2  }
0x4: {  	s0 =	rddreg [dreg:$0x2];
	s2 =	simm.s32 $0x0;
	s4 =	sor.u32 s5, s4  }
0x5: {  	[smem:$0x7FF] =	sst s2;
	s0 =	sadd.s32 s4, s0;
	s1 =	sadd.s32 s1, s4  }
0x6: {  	_ =	strace $0x80000047;
	[dreg:$0x4] =	wrdreg s1;
	s24 =	sadd.s32 $0xE00, s0  }
0x7: {  	s25 =	sadd.s32 $0xE80, s0;
	[dreg:$0x5] =	wrdreg s24  }
0x8: {  	s26 =	sadd.s32 $0xF00, s0;
	[dreg:$0x6] =	wrdreg s25  }
0x9: {  	s4 =	sadd.s32 $0xF80, s0;
	[dreg:$0x7] =	wrdreg s26  }
0xa: {  	s5 =	sadd.s32 $0x1000, s0;
	[dreg:$0x8] =	wrdreg s4  }
0xb: {  	s6 =	sadd.s32 $0x1080, s0;
	[dreg:$0x9] =	wrdreg s5  }
0xc: {  	s7 =	sadd.s32 $0x1100, s0;
	[dreg:$0xa] =	wrdreg s6  }
0xd: {  	s8 =	sadd.s32 $0x1180, s0;
	[dreg:$0xb] =	wrdreg s7  }
0xe: {  	s9 =	sadd.s32 $0x1200, s0;
	[dreg:$0xc] =	wrdreg s8  }
0xf: {  	s10 =	sadd.s32 $0x1280, s0;
	[dreg:$0xd] =	wrdreg s9  }
0x10: {  	s11 =	sadd.s32 $0x1300, s0;
	[dreg:$0xe] =	wrdreg s10  }
0x11: {  	s12 =	sadd.s32 $0x1380, s0;
	[dreg:$0xf] =	wrdreg s11  }
0x12: {  	[dreg:$0x10] =	wrdreg s12  }
0x13: {  	s13 =	sadd.s32 $0x1400, s0;
	s14 =	rddreg [dreg:$0x4]  }
0x14: {  	s15 =	sadd.s32 $0x1480, s0;
	[dreg:$0x11] =	wrdreg s13  }
0x15: {  	[dreg:$0x12] =	wrdreg s15;
	s4 =	simm.s32 $0x2  }
0x16: {  	[tilespmem:s2], [sflag:$0x2] =	stream.linear.gather [hbm4b:s14+s2], $0x20, $0x38;
	[tilespmem:$0x440] =	vst v63  }
0x17: {  	_ =	swait.ge [sflag:s4], $0x20  }
0x18: {  	[sflag:s4] =	ssyncset.done $0x0  }
0x19: {  	[sflag:s4] =	ssyncadd.s32 $0xFFFFFFE0  }
0x1a: {  	v1 =	vld [tilespmem:$0x0]  }
0x1b: {  	v2 =	vld [tilespmem:$0x10]  }
0x1c: {  	v0 =	vimm.f32 $1.000000000e+00  }
0x1d: {  	[tilespmem:$0x430] =	vst v0  }
0x1e: {  	[tilespmem:$0x420] =	vst v0  }
0x1f: {  	[tilespmem:$0x20] =	vst v1  }
0x20: {  	v3 =	vadd.s32 $0x186A0, v1;
	[tilespmem:$0x30] =	vst v2  }
0x21: {  	v4 =	vadd.s32 $0x30D40, v1;
	[tilespmem:$0x40] =	vst v3  }
0x22: {  	v54 =	vadd.s32 $0x7A120, v1;
	[tilespmem:$0x60] =	vst v4  }
0x23: {  	v55 =	vadd.s32 $0x7A120, v2;
	[tilespmem:$0xC0] =	vst v54  }
0x24: {  	v56 =	vadd.s32 $0x16E360, v2;
	[tilespmem:$0xD0] =	vst v55  }
0x25: {  	v57 =	vadd.s32 $0xF4240, v2;
	[tilespmem:$0x210] =	vst v56  }
0x26: {  	v58 =	vadd.s32 $0x927C0, v2;
	[tilespmem:$0x170] =	vst v57  }
0x27: {  	v59 =	vadd.s32 $0x155CC0, v1;
	[tilespmem:$0xF0] =	vst v58  }
0x28: {  	v60 =	vadd.s32 $0x155CC0, v2;
	[tilespmem:$0x1E0] =	vst v59  }
0x29: {  	v61 =	vadd.s32 $0x16E360, v1;
	[tilespmem:$0x1F0] =	vst v60  }
0x2a: {  	v62 =	vadd.s32 $0xAAE60, v2;
	[tilespmem:$0x200] =	vst v61  }
0x2b: {  	v63 =	vadd.s32 $0x493E0, v2;
	[tilespmem:$0x110] =	vst v62  }
0x2c: {  	v3 =	vadd.s32 $0x493E0, v1;
	[tilespmem:$0x90] =	vst v63  }
0x2d: {  	[tilespmem:$0x80] =	vst v3;
	v3 =	vadd.s32 $0x61A80, v1  }
0x2e: {  	[tilespmem:$0xA0] =	vst v3;
	v3 =	vadd.s32 $0x927C0, v1  }
0x2f: {  	[tilespmem:$0xE0] =	vst v3;
	v3 =	vadd.s32 $0x186A0, v2  }
0x30: {  	[tilespmem:$0x50] =	vst v3;
	v3 =	vadd.s32 $0xAAE60, v1  }
0x31: {  	[tilespmem:$0x100] =	vst v3;
	v3 =	vadd.s32 $0x124F80, v1  }
0x32: {  	[tilespmem:$0x1A0] =	vst v3;
	v3 =	vadd.s32 $0x30D40, v2  }
0x33: {  	[tilespmem:$0x70] =	vst v3;
	v3 =	vadd.s32 $0x13D620, v1  }
0x34: {  	[tilespmem:$0x1C0] =	vst v3;
	v3 =	vadd.s32 $0xDBBA0, v1  }
0x35: {  	[tilespmem:$0x140] =	vst v3;
	v3 =	vadd.s32 $0xC3500, v1  }
0x36: {  	[tilespmem:$0x120] =	vst v3;
	v3 =	vadd.s32 $0x10C8E0, v1  }
0x37: {  	v1 =	vadd.s32 $0xF4240, v1;
	[tilespmem:$0x180] =	vst v3  }
0x38: {  	v3 =	vadd.s32 $0x10C8E0, v2;
	[tilespmem:$0x160] =	vst v1  }
0x39: {  	v1 =	vadd.s32 $0x61A80, v2;
	[tilespmem:$0x190] =	vst v3  }
0x3a: {  	v3 =	vadd.s32 $0x124F80, v2;
	[tilespmem:$0xB0] =	vst v1  }
0x3b: {  	v1 =	vadd.s32 $0x13D620, v2;
	[tilespmem:$0x1B0] =	vst v3  }
0x3c: {  	v3 =	vadd.s32 $0xDBBA0, v2;
	[tilespmem:$0x1D0] =	vst v1  }
0x3d: {  	v1 =	vadd.s32 $0xC3500, v2;
	[tilespmem:$0x150] =	vst v3  }
0x3e: {  	s5 =	simm.s32 $0x80;
	s7 =	simm.s32 $0x20;
	s8 =	simm.s32 $0x220;
	[tilespmem:$0x130] =	vst v1  }
0x3f: {  	[tilespmem:s8], [sflag:$0x1] =	stream.indirect.gather [hbm4b:s3+s5], $0x1, s7, s5, $0xb8;
	[tilespmem:$0x440] =	vst v63  }
0x40: {  	s9 =	simm.s32 $0xA0;
	s10 =	simm.s32 $0x2A0  }
0x41: {  	[tilespmem:s10], [sflag:$0x1] =	stream.indirect.gather [hbm4b:s3+s5], $0x1, s9, s5, $0xb8;
	[tilespmem:$0x440] =	vst v63  }
0x42: {  	s11 =	simm.s32 $0x120;
	s12 =	simm.s32 $0x320  }
0x43: {  	[tilespmem:s12], [sflag:$0x1] =	stream.indirect.gather [hbm4b:s3+s5], $0x1, s11, s5, $0xb8;
	[tilespmem:$0x440] =	vst v63  }
0x44: {  	s13 =	simm.s32 $0x1A0;
	s6 =	simm.s32 $0x3A0;
	s14 =	simm.s32 $0x1  }
0x45: {  	[tilespmem:s6], [sflag:$0x1] =	stream.indirect.gather [hbm4b:s3+s5], $0x1, s13, s5, $0xb8;
	[tilespmem:$0x440] =	vst v63  }
0x46: {  	_ =	swait.ge [sflag:s14], $0x80  }
0x47: {  	[sflag:s14] =	ssyncset.done $0x0  }
0x48: {  	[sflag:s14] =	ssyncadd.s32 $0xFFFFFF80  }
0x49: {  	_ =	swait.ge [sflag:s14], $0x80  }
0x4a: {  	[sflag:s14] =	ssyncset.done $0x0  }
0x4b: {  	[sflag:s14] =	ssyncadd.s32 $0xFFFFFF80  }
0x4c: {  	_ =	swait.ge [sflag:s14], $0x80  }
0x4d: {  	[sflag:s14] =	ssyncset.done $0x0  }
0x4e: {  	[sflag:s14] =	ssyncadd.s32 $0xFFFFFF80  }
0x4f: {  	_ =	swait.ge [sflag:s14], $0x80  }
0x50: {  	[sflag:s14] =	ssyncset.done $0x0  }
0x51: {  	s16 =	rddreg [dreg:$0x5];
	[sflag:s14] =	ssyncadd.s32 $0xFFFFFF80  }
0x52: {  	[hbm4b:s16+s2] =	stream.linear.scatter [tilespmem:s8], [sflag:$0x2], $0x20, $0x38;
	[tilespmem:$0x440] =	vst v63  }
0x53: {  	_ =	swait.ge [sflag:s4], $0x20  }
0x54: {  	[sflag:s4] =	ssyncset.done $0x0  }
0x55: {  	s15 =	simm.s32 $0x240;
	s17 =	rddreg [dreg:$0x6];
	[sflag:s4] =	ssyncadd.s32 $0xFFFFFFE0  }
0x56: {  	[hbm4b:s17+s2] =	stream.linear.scatter [tilespmem:s15], [sflag:$0x2], $0x20, $0x38;
	[tilespmem:$0x440] =	vst v63  }
0x57: {  	_ =	swait.ge [sflag:s4], $0x20  }
0x58: {  	[sflag:s4] =	ssyncset.done $0x0  }
0x59: {  	s16 =	simm.s32 $0x260;
	s18 =	rddreg [dreg:$0x7];
	[sflag:s4] =	ssyncadd.s32 $0xFFFFFFE0  }
0x5a: {  	[hbm4b:s18+s2] =	stream.linear.scatter [tilespmem:s16], [sflag:$0x2], $0x20, $0x38;
	[tilespmem:$0x440] =	vst v63  }
0x5b: {  	_ =	swait.ge [sflag:s4], $0x20  }
0x5c: {  	[sflag:s4] =	ssyncset.done $0x0  }
0x5d: {  	s17 =	simm.s32 $0x280;
	s20 =	rddreg [dreg:$0x8];
	[sflag:s4] =	ssyncadd.s32 $0xFFFFFFE0  }
0x5e: {  	[hbm4b:s20+s2] =	stream.linear.scatter [tilespmem:s17], [sflag:$0x2], $0x20, $0x38;
	[tilespmem:$0x440] =	vst v63  }
0x5f: {  	_ =	swait.ge [sflag:s4], $0x20  }
0x60: {  	[sflag:s4] =	ssyncset.done $0x0  }
0x61: {  	s21 =	rddreg [dreg:$0x9];
	[sflag:s4] =	ssyncadd.s32 $0xFFFFFFE0  }
0x62: {  	[hbm4b:s21+s2] =	stream.linear.scatter [tilespmem:s10], [sflag:$0x2], $0x20, $0x38;
	[tilespmem:$0x440] =	vst v63  }
0x63: {  	_ =	swait.ge [sflag:s4], $0x20  }
0x64: {  	[sflag:s4] =	ssyncset.done $0x0  }
0x65: {  	s18 =	simm.s32 $0x2C0;
	s22 =	rddreg [dreg:$0xa];
	[sflag:s4] =	ssyncadd.s32 $0xFFFFFFE0  }
0x66: {  	[hbm4b:s22+s2] =	stream.linear.scatter [tilespmem:s18], [sflag:$0x2], $0x20, $0x38;
	[tilespmem:$0x440] =	vst v63  }
0x67: {  	_ =	swait.ge [sflag:s4], $0x20  }
0x68: {  	[sflag:s4] =	ssyncset.done $0x0  }
0x69: {  	s22 =	simm.s32 $0x2E0;
	s23 =	rddreg [dreg:$0xb];
	[sflag:s4] =	ssyncadd.s32 $0xFFFFFFE0  }
0x6a: {  	[hbm4b:s23+s2] =	stream.linear.scatter [tilespmem:s22], [sflag:$0x2], $0x20, $0x38;
	[tilespmem:$0x440] =	vst v63  }
0x6b: {  	_ =	swait.ge [sflag:s4], $0x20  }
0x6c: {  	s29 =	simm.s32 $0x340;
	s26 =	ssub.s32 $0x2, s19;
	[sflag:s4] =	ssyncset.done $0x0  }
0x6d: {  	s23 =	simm.s32 $0x300;
	s24 =	rddreg [dreg:$0xc];
	[sflag:s4] =	ssyncadd.s32 $0xFFFFFFE0  }
0x6e: {  	[hbm4b:s24+s2] =	stream.linear.scatter [tilespmem:s23], [sflag:$0x2], $0x20, $0x38;
	[tilespmem:$0x440] =	vst v63  }
0x6f: {  	s30 =	simm.s32 $0x380;
	s19 =	sshrl.u32 s26, $0x1;
	_ =	swait.ge [sflag:s4], $0x20  }
0x70: {  	s28 =	simm.s32 $0x3C0;
	s1 =	ssub.s32 s26, s19;
	[sflag:s4] =	ssyncset.done $0x0  }
0x71: {  	s19 =	sadd.s32 $0x1600, s0;
	s25 =	rddreg [dreg:$0xd];
	[sflag:s4] =	ssyncadd.s32 $0xFFFFFFE0  }
0x72: {  	[hbm4b:s25+s2] =	stream.linear.scatter [tilespmem:s12], [sflag:$0x2], $0x20, $0x38;
	[tilespmem:$0x440] =	vst v63  }
0x73: {  	s26 =	simm.s32 $0x3E0;
	s1 =	smax.u32 s1, $0x1;
	_ =	swait.ge [sflag:s4], $0x20  }
0x74: {  	p0 =	sne.s32 s1, $0x1;
	s31 =	sadd.s32 $0xFFFFFFFF, s1;
	[sflag:s4] =	ssyncset.done $0x0  }
.Ltmp0:
0x75: {  	s21 =	rddreg [dreg:$0xe];
	[sflag:s4] =	ssyncadd.s32 $0xFFFFFFE0;
	(pc) =	sbr.rel @!p0 .LBB2_2-.Ltmp0, $4  }
0x76: {  	[hbm4b:s21+s2] =	stream.linear.scatter [tilespmem:s29], [sflag:$0x2], $0x20, $0x38;
	[tilespmem:$0x440] =	vst v63  }
0x77: {  	s20 =	sadd.s32 $0x1500, s0;
	s24 =	simm.s32 $0x420;
	_ =	swait.ge [sflag:s4], $0x20  }
0x78: {  	s25 =	simm.s32 $0x400;
	s21 =	sadd.s32 $0x1580, s0;
	[sflag:s4] =	ssyncset.done $0x0  }
0x79: {  	s0 =	simm.s32 $0x360;
	s1 =	rddreg [dreg:$0xf];
	[sflag:s4] =	ssyncadd.s32 $0xFFFFFFE0  }
.LBB2_1:
0x7a: {  	[hbm4b:s1+s2] =	stream.linear.scatter [tilespmem:s0], [sflag:$0x2], $0x20, $0x38;
	[tilespmem:$0x440] =	vst v63  }
0x7b: {  	_ =	swait.ge [sflag:s4], $0x20  }
0x7c: {  	[sflag:s4] =	ssyncset.done $0x0  }
0x7d: {  	s1 =	rddreg [dreg:$0x10];
	[sflag:s4] =	ssyncadd.s32 $0xFFFFFFE0  }
0x7e: {  	[hbm4b:s1+s2] =	stream.linear.scatter [tilespmem:s30], [sflag:$0x2], $0x20, $0x38;
	[tilespmem:$0x440] =	vst v63  }
0x7f: {  	_ =	swait.ge [sflag:s4], $0x20  }
0x80: {  	[sflag:s4] =	ssyncset.done $0x0  }
0x81: {  	s1 =	rddreg [dreg:$0x11];
	[sflag:s4] =	ssyncadd.s32 $0xFFFFFFE0  }
0x82: {  	[hbm4b:s1+s2] =	stream.linear.scatter [tilespmem:s6], [sflag:$0x2], $0x20, $0x38;
	[tilespmem:$0x440] =	vst v63  }
0x83: {  	_ =	swait.ge [sflag:s4], $0x20  }
0x84: {  	[sflag:s4] =	ssyncset.done $0x0  }
0x85: {  	s1 =	rddreg [dreg:$0x12];
	[sflag:s4] =	ssyncadd.s32 $0xFFFFFFE0  }
0x86: {  	[hbm4b:s1+s2] =	stream.linear.scatter [tilespmem:s28], [sflag:$0x2], $0x20, $0x38;
	[tilespmem:$0x440] =	vst v63  }
0x87: {  	_ =	swait.ge [sflag:s4], $0x20  }
0x88: {  	[sflag:s4] =	ssyncset.done $0x0  }
0x89: {  	[sflag:s4] =	ssyncadd.s32 $0xFFFFFFE0  }
0x8a: {  	[hbm4b:s20+s2] =	stream.linear.scatter [tilespmem:s26], [sflag:$0x2], $0x20, $0x38;
	[tilespmem:$0x440] =	vst v63  }
0x8b: {  	_ =	swait.ge [sflag:s4], $0x20  }
0x8c: {  	[sflag:s4] =	ssyncset.done $0x0  }
0x8d: {  	[sflag:s4] =	ssyncadd.s32 $0xFFFFFFE0  }
0x8e: {  	[hbm4b:s21+s2] =	stream.linear.scatter [tilespmem:s25], [sflag:$0x2], $0x20, $0x38;
	[tilespmem:$0x440] =	vst v63  }
0x8f: {  	_ =	swait.ge [sflag:s4], $0x20  }
0x90: {  	[sflag:s4] =	ssyncset.done $0x0  }
0x91: {  	[sflag:s4] =	ssyncadd.s32 $0xFFFFFFE0  }
0x92: {  	[hbm4b:s19+s2] =	stream.linear.scatter [tilespmem:s24], [sflag:$0x2], $0x20, $0x38;
	[tilespmem:$0x440] =	vst v63  }
0x93: {  	_ =	swait.ge [sflag:s4], $0x20  }
0x94: {  	[sflag:s4] =	ssyncset.done $0x0  }
0x95: {  	s1 =	rddreg [dreg:$0x4];
	[sflag:s4] =	ssyncadd.s32 $0xFFFFFFE0  }
0x96: {  	[tilespmem:s2], [sflag:$0x2] =	stream.linear.gather [hbm4b:s1+s2], $0x20, $0x38;
	[tilespmem:$0x440] =	vst v63  }
0x97: {  	_ =	swait.ge [sflag:s4], $0x20  }
0x98: {  	[sflag:s4] =	ssyncset.done $0x0  }
0x99: {  	[sflag:s4] =	ssyncadd.s32 $0xFFFFFFE0  }
0x9a: {  	v1 =	vld [tilespmem:$0x0]  }
0x9b: {  	v2 =	vld [tilespmem:$0x10];
	_ =	sdelay $0x1  }
0x9c: {  	[tilespmem:$0x430] =	vst v0  }
0x9d: {  	[tilespmem:$0x420] =	vst v0  }
0x9e: {  	[tilespmem:$0x20] =	vst v1  }
0x9f: {  	v3 =	vadd.s32 $0x186A0, v1;
	[tilespmem:$0x30] =	vst v2  }
0xa0: {  	v5 =	vadd.s32 $0x493E0, v1;
	[tilespmem:$0x40] =	vst v3  }
0xa1: {  	v4 =	vadd.s32 $0x30D40, v1;
	[tilespmem:$0x80] =	vst v5  }
0xa2: {  	v6 =	vadd.s32 $0x7A120, v1;
	[tilespmem:$0x60] =	vst v4  }
0xa3: {  	v7 =	vadd.s32 $0x927C0, v1;
	[tilespmem:$0xC0] =	vst v6  }
0xa4: {  	v10 =	vadd.s32 $0x7A120, v2;
	[tilespmem:$0xE0] =	vst v7  }
0xa5: {  	v8 =	vadd.s32 $0x186A0, v2;
	[tilespmem:$0xD0] =	vst v10  }
0xa6: {  	v12 =	vadd.s32 $0x16E360, v2;
	[tilespmem:$0x50] =	vst v8  }
0xa7: {  	v61 =	vadd.s32 $0xAAE60, v1;
	[tilespmem:$0x210] =	vst v12  }
0xa8: {  	v16 =	vadd.s32 $0xF4240, v2;
	[tilespmem:$0x100] =	vst v61  }
0xa9: {  	v22 =	vadd.s32 $0x124F80, v1;
	[tilespmem:$0x170] =	vst v16  }
0xaa: {  	v13 =	vadd.s32 $0x927C0, v2;
	[tilespmem:$0x1A0] =	vst v22  }
0xab: {  	v9 =	vadd.s32 $0x30D40, v2;
	[tilespmem:$0xF0] =	vst v13  }
0xac: {  	v23 =	vadd.s32 $0x155CC0, v1;
	[tilespmem:$0x70] =	vst v9  }
0xad: {  	v63 =	vadd.s32 $0x13D620, v1;
	[tilespmem:$0x1E0] =	vst v23  }
0xae: {  	v11 =	vadd.s32 $0x155CC0, v2;
	[tilespmem:$0x1C0] =	vst v63  }
0xaf: {  	v19 =	vadd.s32 $0xDBBA0, v1;
	[tilespmem:$0x1F0] =	vst v11  }
0xb0: {  	v62 =	vadd.s32 $0xC3500, v1;
	[tilespmem:$0x140] =	vst v19  }
0xb1: {  	v14 =	vadd.s32 $0xAAE60, v2;
	[tilespmem:$0x120] =	vst v62  }
0xb2: {  	v21 =	vadd.s32 $0x10C8E0, v1;
	[tilespmem:$0x110] =	vst v14  }
0xb3: {  	v59 =	vadd.s32 $0x493E0, v2;
	[tilespmem:$0x180] =	vst v21  }
0xb4: {  	v20 =	vadd.s32 $0xF4240, v1;
	[tilespmem:$0x90] =	vst v59  }
0xb5: {  	v17 =	vadd.s32 $0x10C8E0, v2;
	[tilespmem:$0x160] =	vst v20  }
0xb6: {  	v60 =	vadd.s32 $0x61A80, v2;
	[tilespmem:$0x190] =	vst v17  }
0xb7: {  	v18 =	vadd.s32 $0x124F80, v2;
	[tilespmem:$0xB0] =	vst v60  }
0xb8: {  	v15 =	vadd.s32 $0xDBBA0, v2;
	[tilespmem:$0x1B0] =	vst v18  }
0xb9: {  	v3 =	vadd.s32 $0x61A80, v1;
	[tilespmem:$0x150] =	vst v15  }
0xba: {  	v1 =	vadd.s32 $0x16E360, v1;
	[tilespmem:$0xA0] =	vst v3  }
0xbb: {  	v3 =	vadd.s32 $0xC3500, v2;
	v2 =	vadd.s32 $0x13D620, v2;
	[tilespmem:$0x200] =	vst v1  }
0xbc: {  	[tilespmem:$0x1D0] =	vst v2  }
0xbd: {  	[tilespmem:$0x130] =	vst v3  }
0xbe: {  	[tilespmem:s8], [sflag:$0x1] =	stream.indirect.gather [hbm4b:s3+s5], $0x1, s7, s5, $0xb8;
	[tilespmem:$0x440] =	vst v63  }
0xbf: {  	_ = 	snop  }
0xc0: {  	[tilespmem:s10], [sflag:$0x1] =	stream.indirect.gather [hbm4b:s3+s5], $0x1, s9, s5, $0xb8;
	[tilespmem:$0x440] =	vst v63  }
0xc1: {  	_ = 	snop  }
0xc2: {  	[tilespmem:s12], [sflag:$0x1] =	stream.indirect.gather [hbm4b:s3+s5], $0x1, s11, s5, $0xb8;
	[tilespmem:$0x440] =	vst v63  }
0xc3: {  	_ = 	snop  }
0xc4: {  	[tilespmem:s6], [sflag:$0x1] =	stream.indirect.gather [hbm4b:s3+s5], $0x1, s13, s5, $0xb8;
	[tilespmem:$0x440] =	vst v63  }
0xc5: {  	_ =	swait.ge [sflag:s14], $0x80  }
0xc6: {  	[sflag:s14] =	ssyncset.done $0x0  }
0xc7: {  	[sflag:s14] =	ssyncadd.s32 $0xFFFFFF80  }
0xc8: {  	_ =	swait.ge [sflag:s14], $0x80  }
0xc9: {  	[sflag:s14] =	ssyncset.done $0x0  }
0xca: {  	[sflag:s14] =	ssyncadd.s32 $0xFFFFFF80  }
0xcb: {  	_ =	swait.ge [sflag:s14], $0x80  }
0xcc: {  	[sflag:s14] =	ssyncset.done $0x0  }
0xcd: {  	[sflag:s14] =	ssyncadd.s32 $0xFFFFFF80  }
0xce: {  	_ =	swait.ge [sflag:s14], $0x80  }
0xcf: {  	[sflag:s14] =	ssyncset.done $0x0  }
0xd0: {  	s1 =	rddreg [dreg:$0x5];
	[sflag:s14] =	ssyncadd.s32 $0xFFFFFF80  }
0xd1: {  	[hbm4b:s1+s2] =	stream.linear.scatter [tilespmem:s8], [sflag:$0x2], $0x20, $0x38;
	[tilespmem:$0x440] =	vst v63  }
0xd2: {  	_ =	swait.ge [sflag:s4], $0x20  }
0xd3: {  	[sflag:s4] =	ssyncset.done $0x0  }
0xd4: {  	s1 =	rddreg [dreg:$0x6];
	[sflag:s4] =	ssyncadd.s32 $0xFFFFFFE0  }
0xd5: {  	[hbm4b:s1+s2] =	stream.linear.scatter [tilespmem:s15], [sflag:$0x2], $0x20, $0x38;
	[tilespmem:$0x440] =	vst v63  }
0xd6: {  	_ =	swait.ge [sflag:s4], $0x20  }
0xd7: {  	[sflag:s4] =	ssyncset.done $0x0  }
0xd8: {  	s1 =	rddreg [dreg:$0x7];
	[sflag:s4] =	ssyncadd.s32 $0xFFFFFFE0  }
0xd9: {  	[hbm4b:s1+s2] =	stream.linear.scatter [tilespmem:s16], [sflag:$0x2], $0x20, $0x38;
	[tilespmem:$0x440] =	vst v63  }
0xda: {  	_ =	swait.ge [sflag:s4], $0x20  }
0xdb: {  	[sflag:s4] =	ssyncset.done $0x0  }
0xdc: {  	s1 =	rddreg [dreg:$0x8];
	[sflag:s4] =	ssyncadd.s32 $0xFFFFFFE0  }
0xdd: {  	[hbm4b:s1+s2] =	stream.linear.scatter [tilespmem:s17], [sflag:$0x2], $0x20, $0x38;
	[tilespmem:$0x440] =	vst v63  }
0xde: {  	_ =	swait.ge [sflag:s4], $0x20  }
0xdf: {  	[sflag:s4] =	ssyncset.done $0x0  }
0xe0: {  	s1 =	rddreg [dreg:$0x9];
	[sflag:s4] =	ssyncadd.s32 $0xFFFFFFE0  }
0xe1: {  	[hbm4b:s1+s2] =	stream.linear.scatter [tilespmem:s10], [sflag:$0x2], $0x20, $0x38;
	[tilespmem:$0x440] =	vst v63  }
0xe2: {  	_ =	swait.ge [sflag:s4], $0x20  }
0xe3: {  	[sflag:s4] =	ssyncset.done $0x0  }
0xe4: {  	s1 =	rddreg [dreg:$0xa];
	[sflag:s4] =	ssyncadd.s32 $0xFFFFFFE0  }
0xe5: {  	[hbm4b:s1+s2] =	stream.linear.scatter [tilespmem:s18], [sflag:$0x2], $0x20, $0x38;
	[tilespmem:$0x440] =	vst v63  }
0xe6: {  	_ =	swait.ge [sflag:s4], $0x20  }
0xe7: {  	[sflag:s4] =	ssyncset.done $0x0  }
0xe8: {  	s1 =	rddreg [dreg:$0xb];
	[sflag:s4] =	ssyncadd.s32 $0xFFFFFFE0  }
0xe9: {  	[hbm4b:s1+s2] =	stream.linear.scatter [tilespmem:s22], [sflag:$0x2], $0x20, $0x38;
	[tilespmem:$0x440] =	vst v63  }
0xea: {  	_ =	swait.ge [sflag:s4], $0x20  }
0xeb: {  	[sflag:s4] =	ssyncset.done $0x0  }
0xec: {  	s1 =	rddreg [dreg:$0xc];
	[sflag:s4] =	ssyncadd.s32 $0xFFFFFFE0  }
0xed: {  	[hbm4b:s1+s2] =	stream.linear.scatter [tilespmem:s23], [sflag:$0x2], $0x20, $0x38;
	[tilespmem:$0x440] =	vst v63  }
0xee: {  	_ =	swait.ge [sflag:s4], $0x20  }
0xef: {  	[sflag:s4] =	ssyncset.done $0x0  }
0xf0: {  	s1 =	rddreg [dreg:$0xd];
	[sflag:s4] =	ssyncadd.s32 $0xFFFFFFE0  }
0xf1: {  	[hbm4b:s1+s2] =	stream.linear.scatter [tilespmem:s12], [sflag:$0x2], $0x20, $0x38;
	[tilespmem:$0x440] =	vst v63  }
0xf2: {  	_ =	swait.ge [sflag:s4], $0x20  }
0xf3: {  	p0 =	sne.s32 s31, $0x1;
	[sflag:s4] =	ssyncset.done $0x0  }
.Ltmp1:
0xf4: {  	s1 =	rddreg [dreg:$0xe];
	[sflag:s4] =	ssyncadd.s32 $0xFFFFFFE0;
	(pc) =	sbr.rel @p0 .LBB2_1-.Ltmp1, $4  }
0xf5: {  	[hbm4b:s1+s2] =	stream.linear.scatter [tilespmem:s29], [sflag:$0x2], $0x20, $0x38;
	[tilespmem:$0x440] =	vst v63  }
0xf6: {  	_ =	swait.ge [sflag:s4], $0x20  }
0xf7: {  	[sflag:s4] =	ssyncset.done $0x0  }
0xf8: {  	s31 =	sadd.s32 $0xFFFFFFFF, s31;
	s1 =	rddreg [dreg:$0xf];
	[sflag:s4] =	ssyncadd.s32 $0xFFFFFFE0  }
.LBB2_2:
0xf9: {  	[hbm4b:s1+s2] =	stream.linear.scatter [tilespmem:s0], [sflag:$0x2], $0x20, $0x38;
	[tilespmem:$0x440] =	vst v63  }
0xfa: {  	_ =	swait.ge [sflag:s4], $0x20  }
0xfb: {  	[sflag:s4] =	ssyncset.done $0x0  }
0xfc: {  	s23 =	rddreg [dreg:$0x10];
	[sflag:s4] =	ssyncadd.s32 $0xFFFFFFE0  }
0xfd: {  	[hbm4b:s23+s2] =	stream.linear.scatter [tilespmem:s30], [sflag:$0x2], $0x20, $0x38;
	[tilespmem:$0x440] =	vst v63  }
0xfe: {  	_ =	swait.ge [sflag:s4], $0x20  }
0xff: {  	[sflag:s4] =	ssyncset.done $0x0  }
0x100: {  	s29 =	rddreg [dreg:$0x11];
	[sflag:s4] =	ssyncadd.s32 $0xFFFFFFE0  }
0x101: {  	[hbm4b:s29+s2] =	stream.linear.scatter [tilespmem:s6], [sflag:$0x2], $0x20, $0x38;
	[tilespmem:$0x440] =	vst v63  }
0x102: {  	_ =	swait.ge [sflag:s4], $0x20  }
0x103: {  	[sflag:s4] =	ssyncset.done $0x0  }
0x104: {  	s30 =	rddreg [dreg:$0x12];
	[sflag:s4] =	ssyncadd.s32 $0xFFFFFFE0  }
0x105: {  	[hbm4b:s30+s2] =	stream.linear.scatter [tilespmem:s28], [sflag:$0x2], $0x20, $0x38;
	[tilespmem:$0x440] =	vst v63  }
0x106: {  	_ =	swait.ge [sflag:s4], $0x20  }
0x107: {  	[sflag:s4] =	ssyncset.done $0x0  }
0x108: {  	[sflag:s4] =	ssyncadd.s32 $0xFFFFFFE0  }
0x109: {  	[hbm4b:s20+s2] =	stream.linear.scatter [tilespmem:s26], [sflag:$0x2], $0x20, $0x38;
	[tilespmem:$0x440] =	vst v63  }
0x10a: {  	_ =	swait.ge [sflag:s4], $0x20  }
0x10b: {  	[sflag:s4] =	ssyncset.done $0x0  }
0x10c: {  	[sflag:s4] =	ssyncadd.s32 $0xFFFFFFE0  }
0x10d: {  	[hbm4b:s21+s2] =	stream.linear.scatter [tilespmem:s25], [sflag:$0x2], $0x20, $0x38;
	[tilespmem:$0x440] =	vst v63  }
0x10e: {  	_ =	swait.ge [sflag:s4], $0x20  }
0x10f: {  	[sflag:s4] =	ssyncset.done $0x0  }
0x110: {  	[sflag:s4] =	ssyncadd.s32 $0xFFFFFFE0  }
0x111: {  	[hbm4b:s19+s2] =	stream.linear.scatter [tilespmem:s24], [sflag:$0x2], $0x20, $0x38;
	[tilespmem:$0x440] =	vst v63  }
0x112: {  	_ =	swait.ge [sflag:s4], $0x20  }
0x113: {  	[sflag:s4] =	ssyncset.done $0x0  }
0x114: {  	[sflag:s4] =	ssyncadd.s32 $0xFFFFFFE0  }
0x115: {  	_ =	sfence.sel $0x180000  }
0x116: {  	[bflag:$0x0] =	sbarrier.arrive $0xFFFF  }
0x117: {  	_ =	strace $0x90000047  }
0x118: {  	s31 =	stileid.u32;
	[bflag:$0x2] =	sbarrier.arrive $0xFFFF  }
0x119: {  	p0 =	sne.s32 s31, $0x0;
	s0 =	rddreg [dreg:$0x3]  }
0x11a: {  	s0 =	sadd.s32 @!p0 $0x100000, s0  }
0x11b: {  	[sflag:s0] =	ssyncadd.tile.s32 @!p0 $0x1;
	_ =	shalt  }
.Lfunc_end2:
_tile_overlayer_lowered:
.L_overlay_start_2:
0x11c: {  	(tag) =	ssettag $0x2  }
0x11d: {  	s0 =	rddreg [dreg:$0x0];
	s2 =	stileid.u32  }
0x11e: {  	s1 =	rddreg [dreg:$0x1];
	p0 =	sne.s32 s2, $0x0  }
0x11f: {  	s3 =	rddreg [dreg:$0x2];
	[bflag:$0x3] =	sbarrier.arrive $0xFFFF;
	s2 =	simm.s32 @!p0 $0x1C02  }
0x120: {  	[timem:s3], [sflag:s2] =	dma.local @!p0 [hbm:s0], s1  }
0x121: {  	s0 =	simm.s32 @!p0 $0x2  }
0x122: {  	_ =	swait.ge @!p0 [sflag:s0], s1  }
0x123: {  	s1 =	ssub.s32 @!p0 $0x0, s1;
	[sflag:s0] =	ssyncset.done @!p0 $0x0  }
0x124: {  	[sflag:s0] =	ssyncadd.s32 @!p0 s1  }
0x125: {  	[bflag:$0x3] =	sbarrier.arrive $0xFFFF  }
0x126: {  	_ =	shalt  }

</sc_bundles>
